<compile_context>
chip_gen: v7x
topology: tpu7x:2x2x1
jax: 0.10.2.dev20260603
libtpu: 0.0.44.dev20260713+nightly
codegen_flags: <defaults>
</compile_context>

<pallas_src>
import functools

import jax
import jax.numpy as jnp
from jax import lax
from jax.experimental import pallas as pl
from jax.experimental.pallas import tpu as pltpu
from jax.experimental.pallas import tpu_sc as plsc

SOM0 = 32
SOM1 = 32
CODE_DIM = 32
NCODES = SOM0 * SOM1
BLOCK_B = 1024

NC = 2
NS = 16
NW = NC * NS
B_TOTAL = 2048
BPW = B_TOTAL // NW

_HIGH = jax.lax.Precision.HIGHEST


def _tc_body(z_ref, embt_ref, emb_ref,
             zdist_ref, k_ref, zq_ref, zqst_ref, csum_ref, en_ref):
    z = z_ref[...]

    @pl.when(pl.program_id(0) == 0)
    def _compute_en():
        embt = embt_ref[...]
        en_ref[...] = jnp.sum(embt * embt, axis=0, keepdims=True)

    en = en_ref[...]
    dot = jnp.dot(z, embt_ref[...], preferred_element_type=jnp.float32,
                  precision=_HIGH)
    s = en - 2.0 * dot
    zn = jnp.sum(z * z, axis=1, keepdims=True)
    zdist_ref[...] = zn + s

    idx = jax.lax.broadcasted_iota(jnp.int32, s.shape, 1)
    m1 = jnp.min(s, axis=1, keepdims=True)
    j1 = jnp.min(jnp.where(s == m1, idx, NCODES), axis=1, keepdims=True)
    s2 = jnp.where(idx == j1, jnp.float32(3e38), s)
    m2 = jnp.min(s2, axis=1, keepdims=True)
    j2 = jnp.min(jnp.where(s2 == m2, idx, NCODES), axis=1, keepdims=True)

    emb = emb_ref[...]
    oh1 = (idx == j1).astype(jnp.float32)
    oh2 = (idx == j2).astype(jnp.float32)
    oh = jnp.concatenate([oh1, oh2], axis=0)
    e12 = jnp.dot(oh, emb, preferred_element_type=jnp.float32,
                  precision=_HIGH)
    bb = z.shape[0]
    e1 = e12[:bb]
    e2 = e12[bb:]
    d1 = jnp.sum((z - e1) ** 2, axis=1, keepdims=True)
    d2 = jnp.sum((z - e2) ** 2, axis=1, keepdims=True)
    take2 = (d2 < d1) | ((d2 == d1) & (j2 < j1))
    k = jnp.where(take2, j2, j1)
    k_ref[...] = k
    zq = jnp.where(take2, e2, e1)
    zq_ref[...] = zq
    zqst_ref[...] = z + (zq - z)

    part = jnp.sum((zq - z) ** 2)

    @pl.when(pl.program_id(0) == 0)
    def _init():
        csum_ref[...] = jnp.zeros((1, 1), jnp.float32)

    csum_ref[...] += part.reshape(1, 1)


def _tc_stage(z_e, embt, emb):
    b = z_e.shape[0]
    grid = (b // BLOCK_B,)
    out_shapes = (
        jax.ShapeDtypeStruct((b, NCODES), jnp.float32),
        jax.ShapeDtypeStruct((b, 1), jnp.int32),
        jax.ShapeDtypeStruct((b, CODE_DIM), jnp.float32),
        jax.ShapeDtypeStruct((b, CODE_DIM), jnp.float32),
        jax.ShapeDtypeStruct((1, 1), jnp.float32),
    )
    row_spec = pl.BlockSpec((BLOCK_B, CODE_DIM), lambda i: (i, 0))
    out_specs = (
        pl.BlockSpec((BLOCK_B, NCODES), lambda i: (i, 0)),
        pl.BlockSpec((BLOCK_B, 1), lambda i: (i, 0)),
        row_spec, row_spec,
        pl.BlockSpec((1, 1), lambda i: (0, 0)),
    )
    in_specs = (
        row_spec,
        pl.BlockSpec((CODE_DIM, NCODES), lambda i: (0, 0)),
        pl.BlockSpec((NCODES, CODE_DIM), lambda i: (0, 0)),
    )
    return pl.pallas_call(
        _tc_body,
        grid=grid,
        in_specs=in_specs,
        out_specs=out_specs,
        out_shape=out_shapes,
        scratch_shapes=[pltpu.VMEM((1, NCODES), jnp.float32)],
    )(z_e, embt, emb)


_sc_mesh = plsc.VectorSubcoreMesh(
    core_axis_name="c", subcore_axis_name="s", num_cores=NC, num_subcores=NS)


@functools.partial(
    pl.kernel,
    out_type=(
        jax.ShapeDtypeStruct((B_TOTAL, CODE_DIM), jnp.float32),
        jax.ShapeDtypeStruct((B_TOTAL, CODE_DIM), jnp.float32),
        jax.ShapeDtypeStruct((B_TOTAL, CODE_DIM), jnp.float32),
        jax.ShapeDtypeStruct((B_TOTAL, CODE_DIM), jnp.float32),
        jax.ShapeDtypeStruct((NW, 16), jnp.float32),
    ),
    mesh=_sc_mesh,
    compiler_params=pltpu.CompilerParams(use_tc_tiling_on_sc=False),
    scratch_types=[
        pltpu.VMEM((BPW,), jnp.int32),
        pltpu.VMEM((BPW,), jnp.int32),
        pltpu.VMEM((BPW,), jnp.int32),
        pltpu.VMEM((BPW,), jnp.int32),
        pltpu.VMEM((BPW,), jnp.int32),
        pltpu.VMEM((BPW, CODE_DIM), jnp.float32),
        pltpu.VMEM((BPW, CODE_DIM), jnp.float32),
        pltpu.VMEM((BPW, CODE_DIM), jnp.float32),
        pltpu.VMEM((BPW, CODE_DIM), jnp.float32),
        pltpu.VMEM((BPW, CODE_DIM), jnp.float32),
        pltpu.VMEM((16,), jnp.float32),
        pltpu.SemaphoreType.DMA,
    ],
)
def _sc_gather(emb_hbm, k_hbm, z_hbm,
               up_hbm, dn_hbm, rt_hbm, lf_hbm, part_hbm,
               kv, iu, idn, irt, ilf, ru, rdn, rrt, rlf, zv, accv, sem):
    wid = lax.axis_index("s") * NC + lax.axis_index("c")
    base = wid * BPW
    pltpu.sync_copy(k_hbm.at[pl.ds(base, BPW)], kv)
    for ch in range(BPW // 16):
        sl = pl.ds(ch * 16, 16)
        kk = kv[sl]
        k1 = kk >> 5
        k2 = kk & 31
        iu[sl] = jnp.where(k1 < SOM0 - 1, kk + SOM1, NCODES)
        idn[sl] = jnp.where(k1 > 0, kk - SOM1, NCODES)
        irt[sl] = jnp.where(k2 < SOM1 - 1, kk + 1, NCODES)
        ilf[sl] = jnp.where(k2 > 0, kk - 1, NCODES)
    cps = [pltpu.async_copy(emb_hbm.at[iu], ru, sem),
           pltpu.async_copy(emb_hbm.at[idn], rdn, sem),
           pltpu.async_copy(emb_hbm.at[irt], rrt, sem),
           pltpu.async_copy(emb_hbm.at[ilf], rlf, sem)]
    pltpu.sync_copy(z_hbm.at[pl.ds(base, BPW)], zv)
    for cp in cps:
        cp.wait()
    pltpu.sync_copy(ru, up_hbm.at[pl.ds(base, BPW)])
    pltpu.sync_copy(rdn, dn_hbm.at[pl.ds(base, BPW)])
    pltpu.sync_copy(rrt, rt_hbm.at[pl.ds(base, BPW)])
    pltpu.sync_copy(rlf, lf_hbm.at[pl.ds(base, BPW)])

    def body(r, acc):
        z0 = zv[r, pl.ds(0, 16)]
        z1 = zv[r, pl.ds(16, 16)]
        for rows in (ru, rdn, rrt, rlf):
            d0 = z0 - rows[r, pl.ds(0, 16)]
            d1 = z1 - rows[r, pl.ds(16, 16)]
            acc = acc + d0 * d0 + d1 * d1
        return acc

    acc = lax.fori_loop(0, BPW, body, jnp.zeros((16,), jnp.float32))
    accv[...] = acc
    pltpu.sync_copy(accv, part_hbm.at[wid])


@functools.partial(jax.jit, static_argnames=())
def kernel(x, embeddings):
    n, c, t = x.shape
    b = n * t
    z_e = jnp.transpose(x, (0, 2, 1)).reshape(b, c)
    emb = embeddings.reshape(NCODES, CODE_DIM)
    embt = emb.T
    emb_aug = jnp.concatenate(
        [emb, jnp.zeros((1, CODE_DIM), jnp.float32)], axis=0)

    z_dist, k2d, z_q, z_q_st, csum = _tc_stage(z_e, embt, emb)
    k = k2d.reshape(b)

    up, down, right, left, part = _sc_gather(emb_aug, k, z_e)

    z_q_neighbors = jnp.stack([z_q, up, down, right, left], axis=1)
    commit_l = 2.0 * (csum[0, 0] / jnp.float32(b * c))
    som_l = (csum[0, 0] + jnp.sum(part)) / jnp.float32(b * 5 * c)
    z_q_out = jnp.transpose(z_q_st.reshape(n, t, c), (0, 2, 1))
    return (z_q_out, commit_l, som_l, z_q_neighbors, z_dist, k)

# --- scband reference (transcript-rebuilt; emitter-appended) ---
"""Pipeline reference for scband-somquantizer-76493367542078 (READ-ONLY COPY).

The authoritative reference and input builder live on the scoring server;
editing this copy changes nothing except your own understanding.
"""

import jax, jax.numpy as jnp
import numpy as np

SOM0, SOM1 = 32, 32
CODE_DIM = 32


def setup_inputs(seed: int = 0) -> dict:
    key = jax.random.key(seed)
    kx, ke = jax.random.split(key)
    x = jax.random.normal(kx, (4, CODE_DIM, 512), dtype=jnp.float32)
    # trunc_normal std=0.05, a=-0.1, b=0.1 -> truncation at +/-2 std
    embeddings = jax.random.truncated_normal(ke, -2.0, 2.0, (SOM0, SOM1, CODE_DIM), dtype=jnp.float32) * 0.05
    return {"x": x, "embeddings": embeddings}


def reference(x, embeddings):
    N, C, T = x.shape
    som0, som1, code_dim = embeddings.shape
    # preprocess: [N, C, T] -> [N*T, C]
    z_e = jnp.transpose(x, (0, 2, 1)).reshape(-1, C)
    B = z_e.shape[0]
    # find closest embedding (full pairwise squared distance, as in torch code)
    z_dist = (z_e[:, None, None, :] - embeddings[None, :, :, :]) ** 2
    z_dist_sum = jnp.sum(z_dist, axis=-1)
    z_dist_flat = z_dist_sum.reshape(B, -1)
    k = jnp.argmin(z_dist_flat, axis=-1)
    k_1 = k // som1
    k_2 = k % som1
    z_q = embeddings[k_1, k_2]
    # neighbors on the SOM grid
    k1_not_top = k_1 < som0 - 1
    k1_not_bottom = k_1 > 0
    k2_not_right = k_2 < som1 - 1
    k2_not_left = k_2 > 0
    k1_up = jnp.where(k1_not_top, k_1 + 1, k_1)
    k1_down = jnp.where(k1_not_bottom, k_1 - 1, k_1)
    k2_right = jnp.where(k2_not_right, k_2 + 1, k_2)
    k2_left = jnp.where(k2_not_left, k_2 - 1, k_2)
    z_q_up = jnp.where(k1_not_top[:, None], embeddings[k1_up, k_2], 0.0)
    z_q_down = jnp.where(k1_not_bottom[:, None], embeddings[k1_down, k_2], 0.0)
    z_q_right = jnp.where(k2_not_right[:, None], embeddings[k_1, k2_right], 0.0)
    z_q_left = jnp.where(k2_not_left[:, None], embeddings[k_1, k2_left], 0.0)
    z_q_neighbors = jnp.stack([z_q, z_q_up, z_q_down, z_q_right, z_q_left], axis=1)
    # losses (transition=False)
    commit_l = jnp.mean((jax.lax.stop_gradient(z_q) - z_e) ** 2) + jnp.mean((z_q - jax.lax.stop_gradient(z_e)) ** 2)
    som_l = jnp.mean((jax.lax.stop_gradient(z_e)[:, None, :] - z_q_neighbors) ** 2)
    # postprocess: straight-through, [N*T, C] -> [N, C, T]
    z_q_st = z_e + jax.lax.stop_gradient(z_q - z_e)
    z_q_out = jnp.transpose(z_q_st.reshape(N, T, -1), (0, 2, 1))
    return (z_q_out, commit_l, som_l, z_q_neighbors, z_dist_flat, k)

if __name__ == "__main__":
    import jax
    _d = setup_inputs()
    print(jax.jit(kernel)(*tuple(_d.values())))

</pallas_src>

<mosaic_0001>
#map = affine_map<(d0, d1) -> (0, 0)>
#map1 = affine_map<(d0, d1) -> (0)>
module attributes {stable_mosaic.version = 14 : i64} {
  func.func @_sc_gather(%arg0: i32, %arg1: i32, %arg2: memref<1025x32xf32, #tpu.memory_space<hbm>>, %arg3: memref<2048xi32, #tpu.memory_space<hbm>>, %arg4: memref<2048x32xf32, #tpu.memory_space<hbm>>, %arg5: memref<2048x32xf32, #tpu.memory_space<hbm>>, %arg6: memref<2048x32xf32, #tpu.memory_space<hbm>>, %arg7: memref<2048x32xf32, #tpu.memory_space<hbm>>, %arg8: memref<2048x32xf32, #tpu.memory_space<hbm>>, %arg9: memref<32x16xf32, #tpu.memory_space<hbm>>, %arg10: memref<64xi32, #tpu.memory_space<vmem>>, %arg11: memref<64xi32, #tpu.memory_space<vmem>>, %arg12: memref<64xi32, #tpu.memory_space<vmem>>, %arg13: memref<64xi32, #tpu.memory_space<vmem>>, %arg14: memref<64xi32, #tpu.memory_space<vmem>>, %arg15: memref<64x32xf32, #tpu.memory_space<vmem>>, %arg16: memref<64x32xf32, #tpu.memory_space<vmem>>, %arg17: memref<64x32xf32, #tpu.memory_space<vmem>>, %arg18: memref<64x32xf32, #tpu.memory_space<vmem>>, %arg19: memref<64x32xf32, #tpu.memory_space<vmem>>, %arg20: memref<16xf32, #tpu.memory_space<vmem>>, %arg21: memref<!tpu.dma_semaphore, #tpu.memory_space<semaphore_mem>>) attributes {dimension_semantics = [#tpu.dimension_semantics<core_parallel>, #tpu.dimension_semantics<subcore_parallel>], iteration_bounds = array<i64: 2, 16>, scalar_prefetch = 0 : i64, scratch_operands = 12 : i64, tpu.core_type = #tpu.core_type<sc_vector_subcore>, window_params = [{transform_indices = #map}, {transform_indices = #map1}, {transform_indices = #map}, {transform_indices = #map}, {transform_indices = #map}, {transform_indices = #map}, {transform_indices = #map}, {transform_indices = #map}]} {
    %mul3A = arith.constant 2 : i32
    %mul3A_0 = arith.muli %arg1, %mul3A : i32
    %add3A = arith.addi %mul3A_0, %arg0 : i32
    %mul3A_1 = arith.constant 64 : i32
    %mul3A_2 = arith.muli %add3A, %mul3A_1 : i32
    "tpu.region"() ({
      %run_scoped3A = tpu.sem_alloc : memref<!tpu.dma_semaphore, #tpu.memory_space<semaphore_mem>>
      %dma_start3A_270 = tpu.memref_slice %arg3[%mul3A_2] : memref<2048xi32, #tpu.memory_space<hbm>> -> memref<64xi32, #tpu.memory_space<hbm>>
      %dma_start3A_271 = tpu.memref_slice %arg3[%mul3A_2] : memref<2048xi32, #tpu.memory_space<hbm>> -> memref<64xi32, #tpu.memory_space<hbm>>
      tpu.enqueue_dma source(%dma_start3A_271 : memref<64xi32, #tpu.memory_space<hbm>>) target(%arg10 : memref<64xi32, #tpu.memory_space<vmem>>) target_semaphore(%run_scoped3A : memref<!tpu.dma_semaphore, #tpu.memory_space<semaphore_mem>>)
      %dma_wait3A_272 = tpu.memref_slice %arg3[%mul3A_2] : memref<2048xi32, #tpu.memory_space<hbm>> -> memref<64xi32, #tpu.memory_space<hbm>>
      %dma_wait3A_273 = tpu.memref_slice %arg3[%mul3A_2] : memref<2048xi32, #tpu.memory_space<hbm>> -> memref<64xi32, #tpu.memory_space<hbm>>
      tpu.wait_dma2 semaphore(%run_scoped3A : memref<!tpu.dma_semaphore, #tpu.memory_space<semaphore_mem>>) src(%dma_wait3A_273 : memref<64xi32, #tpu.memory_space<hbm>>) dst(%arg10 : memref<64xi32, #tpu.memory_space<vmem>>)
      tpu.yield
    }) : () -> ()
    %get3A = arith.constant 0 : index
    %get3A_3 = tpu.vector_load %arg10[%get3A] {strides = array<i32>} : memref<64xi32, #tpu.memory_space<vmem>>, vector<16xi32>,
    %get3A_4 = vector.shape_cast %get3A_3 : vector<16xi32> to vector<16xi32>
    %shift_right_arithmetic3A = arith.constant 5 : i32
    %shift_right_arithmetic3A_5 = vector.broadcast %shift_right_arithmetic3A : i32 to vector<16xi32>
    %shift_right_arithmetic3A_6 = arith.shrsi %get3A_4, %shift_right_arithmetic3A_5 : vector<16xi32>
    %and3A = arith.constant 31 : i32
    %and3A_7 = vector.broadcast %and3A : i32 to vector<16xi32>
    %and3A_8 = arith.andi %get3A_4, %and3A_7 : vector<16xi32>
    %lt3A = arith.constant 31 : i32
    %lt3A_9 = vector.broadcast %lt3A : i32 to vector<16xi32>
    %lt3A_10 = arith.cmpi slt, %shift_right_arithmetic3A_6, %lt3A_9 : vector<16xi32>
    %add3A_11 = arith.constant 32 : i32
    %add3A_12 = vector.broadcast %add3A_11 : i32 to vector<16xi32>
    %add3A_13 = arith.addi %get3A_4, %add3A_12 : vector<16xi32>
    %jit3A = arith.constant 1024 : i32
    %broadcast_in_dim3A = vector.broadcast %jit3A : i32 to vector<16xi32>
    %select_n3A = arith.select %lt3A_10, %add3A_13, %broadcast_in_dim3A : vector<16xi1>, vector<16xi32>
    %swap3A = arith.constant 0 : index
    %swap3A_14 = tpu.vector_load %arg11[%swap3A] {strides = array<i32>} : memref<64xi32, #tpu.memory_space<vmem>>, vector<16xi32>,
    %swap3A_15 = vector.shape_cast %swap3A_14 : vector<16xi32> to vector<16xi32>
    %swap3A_16 = vector.shape_cast %select_n3A : vector<16xi32> to vector<16xi32>
    tpu.vector_store %arg11[%swap3A], %swap3A_16 {strides = array<i32>} : memref<64xi32, #tpu.memory_space<vmem>>, vector<16xi32>,
    %gt3A = arith.constant 0 : i32
    %gt3A_17 = vector.broadcast %gt3A : i32 to vector<16xi32>
    %gt3A_18 = arith.cmpi sgt, %shift_right_arithmetic3A_6, %gt3A_17 : vector<16xi32>
    %sub3A = arith.constant 32 : i32
    %sub3A_19 = vector.broadcast %sub3A : i32 to vector<16xi32>
    %sub3A_20 = arith.subi %get3A_4, %sub3A_19 : vector<16xi32>
    %jit3A_21 = arith.constant 1024 : i32
    %broadcast_in_dim3A_22 = vector.broadcast %jit3A_21 : i32 to vector<16xi32>
    %select_n3A_23 = arith.select %gt3A_18, %sub3A_20, %broadcast_in_dim3A_22 : vector<16xi1>, vector<16xi32>
    %swap3A_24 = arith.constant 0 : index
    %swap3A_25 = tpu.vector_load %arg12[%swap3A_24] {strides = array<i32>} : memref<64xi32, #tpu.memory_space<vmem>>, vector<16xi32>,
    %swap3A_26 = vector.shape_cast %swap3A_25 : vector<16xi32> to vector<16xi32>
    %swap3A_27 = vector.shape_cast %select_n3A_23 : vector<16xi32> to vector<16xi32>
    tpu.vector_store %arg12[%swap3A_24], %swap3A_27 {strides = array<i32>} : memref<64xi32, #tpu.memory_space<vmem>>, vector<16xi32>,
    %lt3A_28 = arith.constant 31 : i32
    %lt3A_29 = vector.broadcast %lt3A_28 : i32 to vector<16xi32>
    %lt3A_30 = arith.cmpi slt, %and3A_8, %lt3A_29 : vector<16xi32>
    %add3A_31 = arith.constant 1 : i32
    %add3A_32 = vector.broadcast %add3A_31 : i32 to vector<16xi32>
    %add3A_33 = arith.addi %get3A_4, %add3A_32 : vector<16xi32>
    %jit3A_34 = arith.constant 1024 : i32
    %broadcast_in_dim3A_35 = vector.broadcast %jit3A_34 : i32 to vector<16xi32>
    %select_n3A_36 = arith.select %lt3A_30, %add3A_33, %broadcast_in_dim3A_35 : vector<16xi1>, vector<16xi32>
    %swap3A_37 = arith.constant 0 : index
    %swap3A_38 = tpu.vector_load %arg13[%swap3A_37] {strides = array<i32>} : memref<64xi32, #tpu.memory_space<vmem>>, vector<16xi32>,
    %swap3A_39 = vector.shape_cast %swap3A_38 : vector<16xi32> to vector<16xi32>
    %swap3A_40 = vector.shape_cast %select_n3A_36 : vector<16xi32> to vector<16xi32>
    tpu.vector_store %arg13[%swap3A_37], %swap3A_40 {strides = array<i32>} : memref<64xi32, #tpu.memory_space<vmem>>, vector<16xi32>,
    %gt3A_41 = arith.constant 0 : i32
    %gt3A_42 = vector.broadcast %gt3A_41 : i32 to vector<16xi32>
    %gt3A_43 = arith.cmpi sgt, %and3A_8, %gt3A_42 : vector<16xi32>
    %sub3A_44 = arith.constant 1 : i32
    %sub3A_45 = vector.broadcast %sub3A_44 : i32 to vector<16xi32>
    %sub3A_46 = arith.subi %get3A_4, %sub3A_45 : vector<16xi32>
    %jit3A_47 = arith.constant 1024 : i32
    %broadcast_in_dim3A_48 = vector.broadcast %jit3A_47 : i32 to vector<16xi32>
    %select_n3A_49 = arith.select %gt3A_43, %sub3A_46, %broadcast_in_dim3A_48 : vector<16xi1>, vector<16xi32>
    %swap3A_50 = arith.constant 0 : index
    %swap3A_51 = tpu.vector_load %arg14[%swap3A_50] {strides = array<i32>} : memref<64xi32, #tpu.memory_space<vmem>>, vector<16xi32>,
    %swap3A_52 = vector.shape_cast %swap3A_51 : vector<16xi32> to vector<16xi32>
    %swap3A_53 = vector.shape_cast %select_n3A_49 : vector<16xi32> to vector<16xi32>
    tpu.vector_store %arg14[%swap3A_50], %swap3A_53 {strides = array<i32>} : memref<64xi32, #tpu.memory_space<vmem>>, vector<16xi32>,
    %get3A_54 = arith.constant 16 : index
    %get3A_55 = tpu.vector_load %arg10[%get3A_54] {strides = array<i32>} : memref<64xi32, #tpu.memory_space<vmem>>, vector<16xi32>,
    %get3A_56 = vector.shape_cast %get3A_55 : vector<16xi32> to vector<16xi32>
    %shift_right_arithmetic3A_57 = arith.constant 5 : i32
    %shift_right_arithmetic3A_58 = vector.broadcast %shift_right_arithmetic3A_57 : i32 to vector<16xi32>
    %shift_right_arithmetic3A_59 = arith.shrsi %get3A_56, %shift_right_arithmetic3A_58 : vector<16xi32>
    %and3A_60 = arith.constant 31 : i32
    %and3A_61 = vector.broadcast %and3A_60 : i32 to vector<16xi32>
    %and3A_62 = arith.andi %get3A_56, %and3A_61 : vector<16xi32>
    %lt3A_63 = arith.constant 31 : i32
    %lt3A_64 = vector.broadcast %lt3A_63 : i32 to vector<16xi32>
    %lt3A_65 = arith.cmpi slt, %shift_right_arithmetic3A_59, %lt3A_64 : vector<16xi32>
    %add3A_66 = arith.constant 32 : i32
    %add3A_67 = vector.broadcast %add3A_66 : i32 to vector<16xi32>
    %add3A_68 = arith.addi %get3A_56, %add3A_67 : vector<16xi32>
    %jit3A_69 = arith.constant 1024 : i32
    %broadcast_in_dim3A_70 = vector.broadcast %jit3A_69 : i32 to vector<16xi32>
    %select_n3A_71 = arith.select %lt3A_65, %add3A_68, %broadcast_in_dim3A_70 : vector<16xi1>, vector<16xi32>
    %swap3A_72 = arith.constant 16 : index
    %swap3A_73 = tpu.vector_load %arg11[%swap3A_72] {strides = array<i32>} : memref<64xi32, #tpu.memory_space<vmem>>, vector<16xi32>,
    %swap3A_74 = vector.shape_cast %swap3A_73 : vector<16xi32> to vector<16xi32>
    %swap3A_75 = vector.shape_cast %select_n3A_71 : vector<16xi32> to vector<16xi32>
    tpu.vector_store %arg11[%swap3A_72], %swap3A_75 {strides = array<i32>} : memref<64xi32, #tpu.memory_space<vmem>>, vector<16xi32>,
    %gt3A_76 = arith.constant 0 : i32
    %gt3A_77 = vector.broadcast %gt3A_76 : i32 to vector<16xi32>
    %gt3A_78 = arith.cmpi sgt, %shift_right_arithmetic3A_59, %gt3A_77 : vector<16xi32>
    %sub3A_79 = arith.constant 32 : i32
    %sub3A_80 = vector.broadcast %sub3A_79 : i32 to vector<16xi32>
    %sub3A_81 = arith.subi %get3A_56, %sub3A_80 : vector<16xi32>
    %jit3A_82 = arith.constant 1024 : i32
    %broadcast_in_dim3A_83 = vector.broadcast %jit3A_82 : i32 to vector<16xi32>
    %select_n3A_84 = arith.select %gt3A_78, %sub3A_81, %broadcast_in_dim3A_83 : vector<16xi1>, vector<16xi32>
    %swap3A_85 = arith.constant 16 : index
    %swap3A_86 = tpu.vector_load %arg12[%swap3A_85] {strides = array<i32>} : memref<64xi32, #tpu.memory_space<vmem>>, vector<16xi32>,
    %swap3A_87 = vector.shape_cast %swap3A_86 : vector<16xi32> to vector<16xi32>
    %swap3A_88 = vector.shape_cast %select_n3A_84 : vector<16xi32> to vector<16xi32>
    tpu.vector_store %arg12[%swap3A_85], %swap3A_88 {strides = array<i32>} : memref<64xi32, #tpu.memory_space<vmem>>, vector<16xi32>,
    %lt3A_89 = arith.constant 31 : i32
    %lt3A_90 = vector.broadcast %lt3A_89 : i32 to vector<16xi32>
    %lt3A_91 = arith.cmpi slt, %and3A_62, %lt3A_90 : vector<16xi32>
    %add3A_92 = arith.constant 1 : i32
    %add3A_93 = vector.broadcast %add3A_92 : i32 to vector<16xi32>
    %add3A_94 = arith.addi %get3A_56, %add3A_93 : vector<16xi32>
    %jit3A_95 = arith.constant 1024 : i32
    %broadcast_in_dim3A_96 = vector.broadcast %jit3A_95 : i32 to vector<16xi32>
    %select_n3A_97 = arith.select %lt3A_91, %add3A_94, %broadcast_in_dim3A_96 : vector<16xi1>, vector<16xi32>
    %swap3A_98 = arith.constant 16 : index
    %swap3A_99 = tpu.vector_load %arg13[%swap3A_98] {strides = array<i32>} : memref<64xi32, #tpu.memory_space<vmem>>, vector<16xi32>,
    %swap3A_100 = vector.shape_cast %swap3A_99 : vector<16xi32> to vector<16xi32>
    %swap3A_101 = vector.shape_cast %select_n3A_97 : vector<16xi32> to vector<16xi32>
    tpu.vector_store %arg13[%swap3A_98], %swap3A_101 {strides = array<i32>} : memref<64xi32, #tpu.memory_space<vmem>>, vector<16xi32>,
    %gt3A_102 = arith.constant 0 : i32
    %gt3A_103 = vector.broadcast %gt3A_102 : i32 to vector<16xi32>
    %gt3A_104 = arith.cmpi sgt, %and3A_62, %gt3A_103 : vector<16xi32>
    %sub3A_105 = arith.constant 1 : i32
    %sub3A_106 = vector.broadcast %sub3A_105 : i32 to vector<16xi32>
    %sub3A_107 = arith.subi %get3A_56, %sub3A_106 : vector<16xi32>
    %jit3A_108 = arith.constant 1024 : i32
    %broadcast_in_dim3A_109 = vector.broadcast %jit3A_108 : i32 to vector<16xi32>
    %select_n3A_110 = arith.select %gt3A_104, %sub3A_107, %broadcast_in_dim3A_109 : vector<16xi1>, vector<16xi32>
    %swap3A_111 = arith.constant 16 : index
    %swap3A_112 = tpu.vector_load %arg14[%swap3A_111] {strides = array<i32>} : memref<64xi32, #tpu.memory_space<vmem>>, vector<16xi32>,
    %swap3A_113 = vector.shape_cast %swap3A_112 : vector<16xi32> to vector<16xi32>
    %swap3A_114 = vector.shape_cast %select_n3A_110 : vector<16xi32> to vector<16xi32>
    tpu.vector_store %arg14[%swap3A_111], %swap3A_114 {strides = array<i32>} : memref<64xi32, #tpu.memory_space<vmem>>, vector<16xi32>,
    %get3A_115 = arith.constant 32 : index
    %get3A_116 = tpu.vector_load %arg10[%get3A_115] {strides = array<i32>} : memref<64xi32, #tpu.memory_space<vmem>>, vector<16xi32>,
    %get3A_117 = vector.shape_cast %get3A_116 : vector<16xi32> to vector<16xi32>
    %shift_right_arithmetic3A_118 = arith.constant 5 : i32
    %shift_right_arithmetic3A_119 = vector.broadcast %shift_right_arithmetic3A_118 : i32 to vector<16xi32>
    %shift_right_arithmetic3A_120 = arith.shrsi %get3A_117, %shift_right_arithmetic3A_119 : vector<16xi32>
    %and3A_121 = arith.constant 31 : i32
    %and3A_122 = vector.broadcast %and3A_121 : i32 to vector<16xi32>
    %and3A_123 = arith.andi %get3A_117, %and3A_122 : vector<16xi32>
    %lt3A_124 = arith.constant 31 : i32
    %lt3A_125 = vector.broadcast %lt3A_124 : i32 to vector<16xi32>
    %lt3A_126 = arith.cmpi slt, %shift_right_arithmetic3A_120, %lt3A_125 : vector<16xi32>
    %add3A_127 = arith.constant 32 : i32
    %add3A_128 = vector.broadcast %add3A_127 : i32 to vector<16xi32>
    %add3A_129 = arith.addi %get3A_117, %add3A_128 : vector<16xi32>
    %jit3A_130 = arith.constant 1024 : i32
    %broadcast_in_dim3A_131 = vector.broadcast %jit3A_130 : i32 to vector<16xi32>
    %select_n3A_132 = arith.select %lt3A_126, %add3A_129, %broadcast_in_dim3A_131 : vector<16xi1>, vector<16xi32>
    %swap3A_133 = arith.constant 32 : index
    %swap3A_134 = tpu.vector_load %arg11[%swap3A_133] {strides = array<i32>} : memref<64xi32, #tpu.memory_space<vmem>>, vector<16xi32>,
    %swap3A_135 = vector.shape_cast %swap3A_134 : vector<16xi32> to vector<16xi32>
    %swap3A_136 = vector.shape_cast %select_n3A_132 : vector<16xi32> to vector<16xi32>
    tpu.vector_store %arg11[%swap3A_133], %swap3A_136 {strides = array<i32>} : memref<64xi32, #tpu.memory_space<vmem>>, vector<16xi32>,
    %gt3A_137 = arith.constant 0 : i32
    %gt3A_138 = vector.broadcast %gt3A_137 : i32 to vector<16xi32>
    %gt3A_139 = arith.cmpi sgt, %shift_right_arithmetic3A_120, %gt3A_138 : vector<16xi32>
    %sub3A_140 = arith.constant 32 : i32
    %sub3A_141 = vector.broadcast %sub3A_140 : i32 to vector<16xi32>
    %sub3A_142 = arith.subi %get3A_117, %sub3A_141 : vector<16xi32>
    %jit3A_143 = arith.constant 1024 : i32
    %broadcast_in_dim3A_144 = vector.broadcast %jit3A_143 : i32 to vector<16xi32>
    %select_n3A_145 = arith.select %gt3A_139, %sub3A_142, %broadcast_in_dim3A_144 : vector<16xi1>, vector<16xi32>
    %swap3A_146 = arith.constant 32 : index
    %swap3A_147 = tpu.vector_load %arg12[%swap3A_146] {strides = array<i32>} : memref<64xi32, #tpu.memory_space<vmem>>, vector<16xi32>,
    %swap3A_148 = vector.shape_cast %swap3A_147 : vector<16xi32> to vector<16xi32>
    %swap3A_149 = vector.shape_cast %select_n3A_145 : vector<16xi32> to vector<16xi32>
    tpu.vector_store %arg12[%swap3A_146], %swap3A_149 {strides = array<i32>} : memref<64xi32, #tpu.memory_space<vmem>>, vector<16xi32>,
    %lt3A_150 = arith.constant 31 : i32
    %lt3A_151 = vector.broadcast %lt3A_150 : i32 to vector<16xi32>
    %lt3A_152 = arith.cmpi slt, %and3A_123, %lt3A_151 : vector<16xi32>
    %add3A_153 = arith.constant 1 : i32
    %add3A_154 = vector.broadcast %add3A_153 : i32 to vector<16xi32>
    %add3A_155 = arith.addi %get3A_117, %add3A_154 : vector<16xi32>
    %jit3A_156 = arith.constant 1024 : i32
    %broadcast_in_dim3A_157 = vector.broadcast %jit3A_156 : i32 to vector<16xi32>
    %select_n3A_158 = arith.select %lt3A_152, %add3A_155, %broadcast_in_dim3A_157 : vector<16xi1>, vector<16xi32>
    %swap3A_159 = arith.constant 32 : index
    %swap3A_160 = tpu.vector_load %arg13[%swap3A_159] {strides = array<i32>} : memref<64xi32, #tpu.memory_space<vmem>>, vector<16xi32>,
    %swap3A_161 = vector.shape_cast %swap3A_160 : vector<16xi32> to vector<16xi32>
    %swap3A_162 = vector.shape_cast %select_n3A_158 : vector<16xi32> to vector<16xi32>
    tpu.vector_store %arg13[%swap3A_159], %swap3A_162 {strides = array<i32>} : memref<64xi32, #tpu.memory_space<vmem>>, vector<16xi32>,
    %gt3A_163 = arith.constant 0 : i32
    %gt3A_164 = vector.broadcast %gt3A_163 : i32 to vector<16xi32>
    %gt3A_165 = arith.cmpi sgt, %and3A_123, %gt3A_164 : vector<16xi32>
    %sub3A_166 = arith.constant 1 : i32
    %sub3A_167 = vector.broadcast %sub3A_166 : i32 to vector<16xi32>
    %sub3A_168 = arith.subi %get3A_117, %sub3A_167 : vector<16xi32>
    %jit3A_169 = arith.constant 1024 : i32
    %broadcast_in_dim3A_170 = vector.broadcast %jit3A_169 : i32 to vector<16xi32>
    %select_n3A_171 = arith.select %gt3A_165, %sub3A_168, %broadcast_in_dim3A_170 : vector<16xi1>, vector<16xi32>
    %swap3A_172 = arith.constant 32 : index
    %swap3A_173 = tpu.vector_load %arg14[%swap3A_172] {strides = array<i32>} : memref<64xi32, #tpu.memory_space<vmem>>, vector<16xi32>,
    %swap3A_174 = vector.shape_cast %swap3A_173 : vector<16xi32> to vector<16xi32>
    %swap3A_175 = vector.shape_cast %select_n3A_171 : vector<16xi32> to vector<16xi32>
    tpu.vector_store %arg14[%swap3A_172], %swap3A_175 {strides = array<i32>} : memref<64xi32, #tpu.memory_space<vmem>>, vector<16xi32>,
    %get3A_176 = arith.constant 48 : index
    %get3A_177 = tpu.vector_load %arg10[%get3A_176] {strides = array<i32>} : memref<64xi32, #tpu.memory_space<vmem>>, vector<16xi32>,
    %get3A_178 = vector.shape_cast %get3A_177 : vector<16xi32> to vector<16xi32>
    %shift_right_arithmetic3A_179 = arith.constant 5 : i32
    %shift_right_arithmetic3A_180 = vector.broadcast %shift_right_arithmetic3A_179 : i32 to vector<16xi32>
    %shift_right_arithmetic3A_181 = arith.shrsi %get3A_178, %shift_right_arithmetic3A_180 : vector<16xi32>
    %and3A_182 = arith.constant 31 : i32
    %and3A_183 = vector.broadcast %and3A_182 : i32 to vector<16xi32>
    %and3A_184 = arith.andi %get3A_178, %and3A_183 : vector<16xi32>
    %lt3A_185 = arith.constant 31 : i32
    %lt3A_186 = vector.broadcast %lt3A_185 : i32 to vector<16xi32>
    %lt3A_187 = arith.cmpi slt, %shift_right_arithmetic3A_181, %lt3A_186 : vector<16xi32>
    %add3A_188 = arith.constant 32 : i32
    %add3A_189 = vector.broadcast %add3A_188 : i32 to vector<16xi32>
    %add3A_190 = arith.addi %get3A_178, %add3A_189 : vector<16xi32>
    %jit3A_191 = arith.constant 1024 : i32
    %broadcast_in_dim3A_192 = vector.broadcast %jit3A_191 : i32 to vector<16xi32>
    %select_n3A_193 = arith.select %lt3A_187, %add3A_190, %broadcast_in_dim3A_192 : vector<16xi1>, vector<16xi32>
    %swap3A_194 = arith.constant 48 : index
    %swap3A_195 = tpu.vector_load %arg11[%swap3A_194] {strides = array<i32>} : memref<64xi32, #tpu.memory_space<vmem>>, vector<16xi32>,
    %swap3A_196 = vector.shape_cast %swap3A_195 : vector<16xi32> to vector<16xi32>
    %swap3A_197 = vector.shape_cast %select_n3A_193 : vector<16xi32> to vector<16xi32>
    tpu.vector_store %arg11[%swap3A_194], %swap3A_197 {strides = array<i32>} : memref<64xi32, #tpu.memory_space<vmem>>, vector<16xi32>,
    %gt3A_198 = arith.constant 0 : i32
    %gt3A_199 = vector.broadcast %gt3A_198 : i32 to vector<16xi32>
    %gt3A_200 = arith.cmpi sgt, %shift_right_arithmetic3A_181, %gt3A_199 : vector<16xi32>
    %sub3A_201 = arith.constant 32 : i32
    %sub3A_202 = vector.broadcast %sub3A_201 : i32 to vector<16xi32>
    %sub3A_203 = arith.subi %get3A_178, %sub3A_202 : vector<16xi32>
    %jit3A_204 = arith.constant 1024 : i32
    %broadcast_in_dim3A_205 = vector.broadcast %jit3A_204 : i32 to vector<16xi32>
    %select_n3A_206 = arith.select %gt3A_200, %sub3A_203, %broadcast_in_dim3A_205 : vector<16xi1>, vector<16xi32>
    %swap3A_207 = arith.constant 48 : index
    %swap3A_208 = tpu.vector_load %arg12[%swap3A_207] {strides = array<i32>} : memref<64xi32, #tpu.memory_space<vmem>>, vector<16xi32>,
    %swap3A_209 = vector.shape_cast %swap3A_208 : vector<16xi32> to vector<16xi32>
    %swap3A_210 = vector.shape_cast %select_n3A_206 : vector<16xi32> to vector<16xi32>
    tpu.vector_store %arg12[%swap3A_207], %swap3A_210 {strides = array<i32>} : memref<64xi32, #tpu.memory_space<vmem>>, vector<16xi32>,
    %lt3A_211 = arith.constant 31 : i32
    %lt3A_212 = vector.broadcast %lt3A_211 : i32 to vector<16xi32>
    %lt3A_213 = arith.cmpi slt, %and3A_184, %lt3A_212 : vector<16xi32>
    %add3A_214 = arith.constant 1 : i32
    %add3A_215 = vector.broadcast %add3A_214 : i32 to vector<16xi32>
    %add3A_216 = arith.addi %get3A_178, %add3A_215 : vector<16xi32>
    %jit3A_217 = arith.constant 1024 : i32
    %broadcast_in_dim3A_218 = vector.broadcast %jit3A_217 : i32 to vector<16xi32>
    %select_n3A_219 = arith.select %lt3A_213, %add3A_216, %broadcast_in_dim3A_218 : vector<16xi1>, vector<16xi32>
    %swap3A_220 = arith.constant 48 : index
    %swap3A_221 = tpu.vector_load %arg13[%swap3A_220] {strides = array<i32>} : memref<64xi32, #tpu.memory_space<vmem>>, vector<16xi32>,
    %swap3A_222 = vector.shape_cast %swap3A_221 : vector<16xi32> to vector<16xi32>
    %swap3A_223 = vector.shape_cast %select_n3A_219 : vector<16xi32> to vector<16xi32>
    tpu.vector_store %arg13[%swap3A_220], %swap3A_223 {strides = array<i32>} : memref<64xi32, #tpu.memory_space<vmem>>, vector<16xi32>,
    %gt3A_224 = arith.constant 0 : i32
    %gt3A_225 = vector.broadcast %gt3A_224 : i32 to vector<16xi32>
    %gt3A_226 = arith.cmpi sgt, %and3A_184, %gt3A_225 : vector<16xi32>
    %sub3A_227 = arith.constant 1 : i32
    %sub3A_228 = vector.broadcast %sub3A_227 : i32 to vector<16xi32>
    %sub3A_229 = arith.subi %get3A_178, %sub3A_228 : vector<16xi32>
    %jit3A_230 = arith.constant 1024 : i32
    %broadcast_in_dim3A_231 = vector.broadcast %jit3A_230 : i32 to vector<16xi32>
    %select_n3A_232 = arith.select %gt3A_226, %sub3A_229, %broadcast_in_dim3A_231 : vector<16xi1>, vector<16xi32>
    %swap3A_233 = arith.constant 48 : index
    %swap3A_234 = tpu.vector_load %arg14[%swap3A_233] {strides = array<i32>} : memref<64xi32, #tpu.memory_space<vmem>>, vector<16xi32>,
    %swap3A_235 = vector.shape_cast %swap3A_234 : vector<16xi32> to vector<16xi32>
    %swap3A_236 = vector.shape_cast %select_n3A_232 : vector<16xi32> to vector<16xi32>
    tpu.vector_store %arg14[%swap3A_233], %swap3A_236 {strides = array<i32>} : memref<64xi32, #tpu.memory_space<vmem>>, vector<16xi32>,
    %dma_start3A = arith.constant 0 : i32
    %dma_start3A_237 = arith.constant 0 : i32
    %dma_start3A_238 = tpu.memref_slice %arg2[%dma_start3A, %dma_start3A_237] : memref<1025x32xf32, #tpu.memory_space<hbm>> -> memref<1025x32xf32, #tpu.memory_space<hbm>>
    tpu.enqueue_indirect_dma source(%dma_start3A_238 : memref<1025x32xf32, #tpu.memory_space<hbm>>) target(%arg15 : memref<64x32xf32, #tpu.memory_space<vmem>>) offsets(%arg11 : memref<64xi32, #tpu.memory_space<vmem>>) semaphore(%arg21 : memref<!tpu.dma_semaphore, #tpu.memory_space<semaphore_mem>>)
    %dma_start3A_239 = arith.constant 0 : i32
    %dma_start3A_240 = arith.constant 0 : i32
    %dma_start3A_241 = tpu.memref_slice %arg2[%dma_start3A_239, %dma_start3A_240] : memref<1025x32xf32, #tpu.memory_space<hbm>> -> memref<1025x32xf32, #tpu.memory_space<hbm>>
    tpu.enqueue_indirect_dma source(%dma_start3A_241 : memref<1025x32xf32, #tpu.memory_space<hbm>>) target(%arg16 : memref<64x32xf32, #tpu.memory_space<vmem>>) offsets(%arg12 : memref<64xi32, #tpu.memory_space<vmem>>) semaphore(%arg21 : memref<!tpu.dma_semaphore, #tpu.memory_space<semaphore_mem>>)
    %dma_start3A_242 = arith.constant 0 : i32
    %dma_start3A_243 = arith.constant 0 : i32
    %dma_start3A_244 = tpu.memref_slice %arg2[%dma_start3A_242, %dma_start3A_243] : memref<1025x32xf32, #tpu.memory_space<hbm>> -> memref<1025x32xf32, #tpu.memory_space<hbm>>
    tpu.enqueue_indirect_dma source(%dma_start3A_244 : memref<1025x32xf32, #tpu.memory_space<hbm>>) target(%arg17 : memref<64x32xf32, #tpu.memory_space<vmem>>) offsets(%arg13 : memref<64xi32, #tpu.memory_space<vmem>>) semaphore(%arg21 : memref<!tpu.dma_semaphore, #tpu.memory_space<semaphore_mem>>)
    %dma_start3A_245 = arith.constant 0 : i32
    %dma_start3A_246 = arith.constant 0 : i32
    %dma_start3A_247 = tpu.memref_slice %arg2[%dma_start3A_245, %dma_start3A_246] : memref<1025x32xf32, #tpu.memory_space<hbm>> -> memref<1025x32xf32, #tpu.memory_space<hbm>>
    tpu.enqueue_indirect_dma source(%dma_start3A_247 : memref<1025x32xf32, #tpu.memory_space<hbm>>) target(%arg18 : memref<64x32xf32, #tpu.memory_space<vmem>>) offsets(%arg14 : memref<64xi32, #tpu.memory_space<vmem>>) semaphore(%arg21 : memref<!tpu.dma_semaphore, #tpu.memory_space<semaphore_mem>>)
    "tpu.region"() ({
      %run_scoped3A = tpu.sem_alloc : memref<!tpu.dma_semaphore, #tpu.memory_space<semaphore_mem>>
      %dma_start3A_270 = arith.constant 0 : i32
      %dma_start3A_271 = tpu.memref_slice %arg4[%mul3A_2, %dma_start3A_270] : memref<2048x32xf32, #tpu.memory_space<hbm>> -> memref<64x32xf32, #tpu.memory_space<hbm>>
      %dma_start3A_272 = arith.constant 0 : i32
      %dma_start3A_273 = tpu.memref_slice %arg4[%mul3A_2, %dma_start3A_272] : memref<2048x32xf32, #tpu.memory_space<hbm>> -> memref<64x32xf32, #tpu.memory_space<hbm>>
      tpu.enqueue_dma source(%dma_start3A_273 : memref<64x32xf32, #tpu.memory_space<hbm>>) target(%arg19 : memref<64x32xf32, #tpu.memory_space<vmem>>) target_semaphore(%run_scoped3A : memref<!tpu.dma_semaphore, #tpu.memory_space<semaphore_mem>>)
      %dma_wait3A_274 = arith.constant 0 : i32
      %dma_wait3A_275 = tpu.memref_slice %arg4[%mul3A_2, %dma_wait3A_274] : memref<2048x32xf32, #tpu.memory_space<hbm>> -> memref<64x32xf32, #tpu.memory_space<hbm>>
      %dma_wait3A_276 = arith.constant 0 : i32
      %dma_wait3A_277 = tpu.memref_slice %arg4[%mul3A_2, %dma_wait3A_276] : memref<2048x32xf32, #tpu.memory_space<hbm>> -> memref<64x32xf32, #tpu.memory_space<hbm>>
      tpu.wait_dma2 semaphore(%run_scoped3A : memref<!tpu.dma_semaphore, #tpu.memory_space<semaphore_mem>>) src(%dma_wait3A_277 : memref<64x32xf32, #tpu.memory_space<hbm>>) dst(%arg19 : memref<64x32xf32, #tpu.memory_space<vmem>>)
      tpu.yield
    }) : () -> ()
    %dma_wait3A = arith.constant 0 : i32
    %dma_wait3A_248 = arith.constant 0 : i32
    %dma_wait3A_249 = tpu.memref_slice %arg2[%dma_wait3A, %dma_wait3A_248] : memref<1025x32xf32, #tpu.memory_space<hbm>> -> memref<1025x32xf32, #tpu.memory_space<hbm>>
    tpu.wait_indirect_dma semaphore(%arg21 : memref<!tpu.dma_semaphore, #tpu.memory_space<semaphore_mem>>) src(%dma_wait3A_249 : memref<1025x32xf32, #tpu.memory_space<hbm>>) dst(%arg15 : memref<64x32xf32, #tpu.memory_space<vmem>>)
    %dma_wait3A_250 = arith.constant 0 : i32
    %dma_wait3A_251 = arith.constant 0 : i32
    %dma_wait3A_252 = tpu.memref_slice %arg2[%dma_wait3A_250, %dma_wait3A_251] : memref<1025x32xf32, #tpu.memory_space<hbm>> -> memref<1025x32xf32, #tpu.memory_space<hbm>>
    tpu.wait_indirect_dma semaphore(%arg21 : memref<!tpu.dma_semaphore, #tpu.memory_space<semaphore_mem>>) src(%dma_wait3A_252 : memref<1025x32xf32, #tpu.memory_space<hbm>>) dst(%arg16 : memref<64x32xf32, #tpu.memory_space<vmem>>)
    %dma_wait3A_253 = arith.constant 0 : i32
    %dma_wait3A_254 = arith.constant 0 : i32
    %dma_wait3A_255 = tpu.memref_slice %arg2[%dma_wait3A_253, %dma_wait3A_254] : memref<1025x32xf32, #tpu.memory_space<hbm>> -> memref<1025x32xf32, #tpu.memory_space<hbm>>
    tpu.wait_indirect_dma semaphore(%arg21 : memref<!tpu.dma_semaphore, #tpu.memory_space<semaphore_mem>>) src(%dma_wait3A_255 : memref<1025x32xf32, #tpu.memory_space<hbm>>) dst(%arg17 : memref<64x32xf32, #tpu.memory_space<vmem>>)
    %dma_wait3A_256 = arith.constant 0 : i32
    %dma_wait3A_257 = arith.constant 0 : i32
    %dma_wait3A_258 = tpu.memref_slice %arg2[%dma_wait3A_256, %dma_wait3A_257] : memref<1025x32xf32, #tpu.memory_space<hbm>> -> memref<1025x32xf32, #tpu.memory_space<hbm>>
    tpu.wait_indirect_dma semaphore(%arg21 : memref<!tpu.dma_semaphore, #tpu.memory_space<semaphore_mem>>) src(%dma_wait3A_258 : memref<1025x32xf32, #tpu.memory_space<hbm>>) dst(%arg18 : memref<64x32xf32, #tpu.memory_space<vmem>>)
    "tpu.region"() ({
      %run_scoped3A = tpu.sem_alloc : memref<!tpu.dma_semaphore, #tpu.memory_space<semaphore_mem>>
      %dma_start3A_270 = arith.constant 0 : i32
      %dma_start3A_271 = tpu.memref_slice %arg5[%mul3A_2, %dma_start3A_270] : memref<2048x32xf32, #tpu.memory_space<hbm>> -> memref<64x32xf32, #tpu.memory_space<hbm>>
      %dma_start3A_272 = arith.constant 0 : i32
      %dma_start3A_273 = tpu.memref_slice %arg5[%mul3A_2, %dma_start3A_272] : memref<2048x32xf32, #tpu.memory_space<hbm>> -> memref<64x32xf32, #tpu.memory_space<hbm>>
      tpu.enqueue_dma source(%arg15 : memref<64x32xf32, #tpu.memory_space<vmem>>) target(%dma_start3A_273 : memref<64x32xf32, #tpu.memory_space<hbm>>) target_semaphore(%run_scoped3A : memref<!tpu.dma_semaphore, #tpu.memory_space<semaphore_mem>>)
      %dma_wait3A_274 = arith.constant 0 : i32
      %dma_wait3A_275 = tpu.memref_slice %arg5[%mul3A_2, %dma_wait3A_274] : memref<2048x32xf32, #tpu.memory_space<hbm>> -> memref<64x32xf32, #tpu.memory_space<hbm>>
      %dma_wait3A_276 = arith.constant 0 : i32
      %dma_wait3A_277 = tpu.memref_slice %arg5[%mul3A_2, %dma_wait3A_276] : memref<2048x32xf32, #tpu.memory_space<hbm>> -> memref<64x32xf32, #tpu.memory_space<hbm>>
      tpu.wait_dma2 semaphore(%run_scoped3A : memref<!tpu.dma_semaphore, #tpu.memory_space<semaphore_mem>>) src(%arg15 : memref<64x32xf32, #tpu.memory_space<vmem>>) dst(%dma_wait3A_277 : memref<64x32xf32, #tpu.memory_space<hbm>>)
      tpu.yield
    }) : () -> ()
    "tpu.region"() ({
      %run_scoped3A = tpu.sem_alloc : memref<!tpu.dma_semaphore, #tpu.memory_space<semaphore_mem>>
      %dma_start3A_270 = arith.constant 0 : i32
      %dma_start3A_271 = tpu.memref_slice %arg6[%mul3A_2, %dma_start3A_270] : memref<2048x32xf32, #tpu.memory_space<hbm>> -> memref<64x32xf32, #tpu.memory_space<hbm>>
      %dma_start3A_272 = arith.constant 0 : i32
      %dma_start3A_273 = tpu.memref_slice %arg6[%mul3A_2, %dma_start3A_272] : memref<2048x32xf32, #tpu.memory_space<hbm>> -> memref<64x32xf32, #tpu.memory_space<hbm>>
      tpu.enqueue_dma source(%arg16 : memref<64x32xf32, #tpu.memory_space<vmem>>) target(%dma_start3A_273 : memref<64x32xf32, #tpu.memory_space<hbm>>) target_semaphore(%run_scoped3A : memref<!tpu.dma_semaphore, #tpu.memory_space<semaphore_mem>>)
      %dma_wait3A_274 = arith.constant 0 : i32
      %dma_wait3A_275 = tpu.memref_slice %arg6[%mul3A_2, %dma_wait3A_274] : memref<2048x32xf32, #tpu.memory_space<hbm>> -> memref<64x32xf32, #tpu.memory_space<hbm>>
      %dma_wait3A_276 = arith.constant 0 : i32
      %dma_wait3A_277 = tpu.memref_slice %arg6[%mul3A_2, %dma_wait3A_276] : memref<2048x32xf32, #tpu.memory_space<hbm>> -> memref<64x32xf32, #tpu.memory_space<hbm>>
      tpu.wait_dma2 semaphore(%run_scoped3A : memref<!tpu.dma_semaphore, #tpu.memory_space<semaphore_mem>>) src(%arg16 : memref<64x32xf32, #tpu.memory_space<vmem>>) dst(%dma_wait3A_277 : memref<64x32xf32, #tpu.memory_space<hbm>>)
      tpu.yield
    }) : () -> ()
    "tpu.region"() ({
      %run_scoped3A = tpu.sem_alloc : memref<!tpu.dma_semaphore, #tpu.memory_space<semaphore_mem>>
      %dma_start3A_270 = arith.constant 0 : i32
      %dma_start3A_271 = tpu.memref_slice %arg7[%mul3A_2, %dma_start3A_270] : memref<2048x32xf32, #tpu.memory_space<hbm>> -> memref<64x32xf32, #tpu.memory_space<hbm>>
      %dma_start3A_272 = arith.constant 0 : i32
      %dma_start3A_273 = tpu.memref_slice %arg7[%mul3A_2, %dma_start3A_272] : memref<2048x32xf32, #tpu.memory_space<hbm>> -> memref<64x32xf32, #tpu.memory_space<hbm>>
      tpu.enqueue_dma source(%arg17 : memref<64x32xf32, #tpu.memory_space<vmem>>) target(%dma_start3A_273 : memref<64x32xf32, #tpu.memory_space<hbm>>) target_semaphore(%run_scoped3A : memref<!tpu.dma_semaphore, #tpu.memory_space<semaphore_mem>>)
      %dma_wait3A_274 = arith.constant 0 : i32
      %dma_wait3A_275 = tpu.memref_slice %arg7[%mul3A_2, %dma_wait3A_274] : memref<2048x32xf32, #tpu.memory_space<hbm>> -> memref<64x32xf32, #tpu.memory_space<hbm>>
      %dma_wait3A_276 = arith.constant 0 : i32
      %dma_wait3A_277 = tpu.memref_slice %arg7[%mul3A_2, %dma_wait3A_276] : memref<2048x32xf32, #tpu.memory_space<hbm>> -> memref<64x32xf32, #tpu.memory_space<hbm>>
      tpu.wait_dma2 semaphore(%run_scoped3A : memref<!tpu.dma_semaphore, #tpu.memory_space<semaphore_mem>>) src(%arg17 : memref<64x32xf32, #tpu.memory_space<vmem>>) dst(%dma_wait3A_277 : memref<64x32xf32, #tpu.memory_space<hbm>>)
      tpu.yield
    }) : () -> ()
    "tpu.region"() ({
      %run_scoped3A = tpu.sem_alloc : memref<!tpu.dma_semaphore, #tpu.memory_space<semaphore_mem>>
      %dma_start3A_270 = arith.constant 0 : i32
      %dma_start3A_271 = tpu.memref_slice %arg8[%mul3A_2, %dma_start3A_270] : memref<2048x32xf32, #tpu.memory_space<hbm>> -> memref<64x32xf32, #tpu.memory_space<hbm>>
      %dma_start3A_272 = arith.constant 0 : i32
      %dma_start3A_273 = tpu.memref_slice %arg8[%mul3A_2, %dma_start3A_272] : memref<2048x32xf32, #tpu.memory_space<hbm>> -> memref<64x32xf32, #tpu.memory_space<hbm>>
      tpu.enqueue_dma source(%arg18 : memref<64x32xf32, #tpu.memory_space<vmem>>) target(%dma_start3A_273 : memref<64x32xf32, #tpu.memory_space<hbm>>) target_semaphore(%run_scoped3A : memref<!tpu.dma_semaphore, #tpu.memory_space<semaphore_mem>>)
      %dma_wait3A_274 = arith.constant 0 : i32
      %dma_wait3A_275 = tpu.memref_slice %arg8[%mul3A_2, %dma_wait3A_274] : memref<2048x32xf32, #tpu.memory_space<hbm>> -> memref<64x32xf32, #tpu.memory_space<hbm>>
      %dma_wait3A_276 = arith.constant 0 : i32
      %dma_wait3A_277 = tpu.memref_slice %arg8[%mul3A_2, %dma_wait3A_276] : memref<2048x32xf32, #tpu.memory_space<hbm>> -> memref<64x32xf32, #tpu.memory_space<hbm>>
      tpu.wait_dma2 semaphore(%run_scoped3A : memref<!tpu.dma_semaphore, #tpu.memory_space<semaphore_mem>>) src(%arg18 : memref<64x32xf32, #tpu.memory_space<vmem>>) dst(%dma_wait3A_277 : memref<64x32xf32, #tpu.memory_space<hbm>>)
      tpu.yield
    }) : () -> ()
    %broadcast_in_dim3A_259 = arith.constant 0.000000e+00 : f32
    %broadcast_in_dim3A_260 = vector.broadcast %broadcast_in_dim3A_259 : f32 to vector<16xf32>
    %scan3A = arith.constant 0 : i32
    %scan3A_261 = arith.constant 64 : i32
    %scan3A_262 = arith.addi %scan3A, %scan3A_261 : i32
    %scan3A_263 = arith.constant 1 : i32
    %scan3A_264 = scf.for %scan3A_270 = %scan3A to %scan3A_262 step %scan3A_263 iter_args(%scan3A_271 = %broadcast_in_dim3A_260) -> (vector<16xf32>)  : i32 {
      %get3A_272 = arith.index_cast %scan3A_270 : i32 to index
      %get3A_273 = arith.constant 0 : index
      %get3A_274 = tpu.vector_load %arg19[%get3A_272, %get3A_273] {strides = array<i32>} : memref<64x32xf32, #tpu.memory_space<vmem>>, vector<1x16xf32>,
      %get3A_275 = vector.shape_cast %get3A_274 : vector<1x16xf32> to vector<16xf32>
      %get3A_276 = arith.index_cast %scan3A_270 : i32 to index
      %get3A_277 = arith.constant 16 : index
      %get3A_278 = tpu.vector_load %arg19[%get3A_276, %get3A_277] {strides = array<i32>} : memref<64x32xf32, #tpu.memory_space<vmem>>, vector<1x16xf32>,
      %get3A_279 = vector.shape_cast %get3A_278 : vector<1x16xf32> to vector<16xf32>
      %get3A_280 = arith.index_cast %scan3A_270 : i32 to index
      %get3A_281 = arith.constant 0 : index
      %get3A_282 = tpu.vector_load %arg15[%get3A_280, %get3A_281] {strides = array<i32>} : memref<64x32xf32, #tpu.memory_space<vmem>>, vector<1x16xf32>,
      %get3A_283 = vector.shape_cast %get3A_282 : vector<1x16xf32> to vector<16xf32>
      %sub3A_284 = arith.subf %get3A_275, %get3A_283 : vector<16xf32>
      %get3A_285 = arith.index_cast %scan3A_270 : i32 to index
      %get3A_286 = arith.constant 16 : index
      %get3A_287 = tpu.vector_load %arg15[%get3A_285, %get3A_286] {strides = array<i32>} : memref<64x32xf32, #tpu.memory_space<vmem>>, vector<1x16xf32>,
      %get3A_288 = vector.shape_cast %get3A_287 : vector<1x16xf32> to vector<16xf32>
      %sub3A_289 = arith.subf %get3A_279, %get3A_288 : vector<16xf32>
      %mul3A_290 = arith.mulf %sub3A_284, %sub3A_284 : vector<16xf32>
      %add3A_291 = arith.addf %scan3A_271, %mul3A_290 : vector<16xf32>
      %mul3A_292 = arith.mulf %sub3A_289, %sub3A_289 : vector<16xf32>
      %add3A_293 = arith.addf %add3A_291, %mul3A_292 : vector<16xf32>
      %get3A_294 = arith.index_cast %scan3A_270 : i32 to index
      %get3A_295 = arith.constant 0 : index
      %get3A_296 = tpu.vector_load %arg16[%get3A_294, %get3A_295] {strides = array<i32>} : memref<64x32xf32, #tpu.memory_space<vmem>>, vector<1x16xf32>,
      %get3A_297 = vector.shape_cast %get3A_296 : vector<1x16xf32> to vector<16xf32>
      %sub3A_298 = arith.subf %get3A_275, %get3A_297 : vector<16xf32>
      %get3A_299 = arith.index_cast %scan3A_270 : i32 to index
      %get3A_300 = arith.constant 16 : index
      %get3A_301 = tpu.vector_load %arg16[%get3A_299, %get3A_300] {strides = array<i32>} : memref<64x32xf32, #tpu.memory_space<vmem>>, vector<1x16xf32>,
      %get3A_302 = vector.shape_cast %get3A_301 : vector<1x16xf32> to vector<16xf32>
      %sub3A_303 = arith.subf %get3A_279, %get3A_302 : vector<16xf32>
      %mul3A_304 = arith.mulf %sub3A_298, %sub3A_298 : vector<16xf32>
      %add3A_305 = arith.addf %add3A_293, %mul3A_304 : vector<16xf32>
      %mul3A_306 = arith.mulf %sub3A_303, %sub3A_303 : vector<16xf32>
      %add3A_307 = arith.addf %add3A_305, %mul3A_306 : vector<16xf32>
      %get3A_308 = arith.index_cast %scan3A_270 : i32 to index
      %get3A_309 = arith.constant 0 : index
      %get3A_310 = tpu.vector_load %arg17[%get3A_308, %get3A_309] {strides = array<i32>} : memref<64x32xf32, #tpu.memory_space<vmem>>, vector<1x16xf32>,
      %get3A_311 = vector.shape_cast %get3A_310 : vector<1x16xf32> to vector<16xf32>
      %sub3A_312 = arith.subf %get3A_275, %get3A_311 : vector<16xf32>
      %get3A_313 = arith.index_cast %scan3A_270 : i32 to index
      %get3A_314 = arith.constant 16 : index
      %get3A_315 = tpu.vector_load %arg17[%get3A_313, %get3A_314] {strides = array<i32>} : memref<64x32xf32, #tpu.memory_space<vmem>>, vector<1x16xf32>,
      %get3A_316 = vector.shape_cast %get3A_315 : vector<1x16xf32> to vector<16xf32>
      %sub3A_317 = arith.subf %get3A_279, %get3A_316 : vector<16xf32>
      %mul3A_318 = arith.mulf %sub3A_312, %sub3A_312 : vector<16xf32>
      %add3A_319 = arith.addf %add3A_307, %mul3A_318 : vector<16xf32>
      %mul3A_320 = arith.mulf %sub3A_317, %sub3A_317 : vector<16xf32>
      %add3A_321 = arith.addf %add3A_319, %mul3A_320 : vector<16xf32>
      %get3A_322 = arith.index_cast %scan3A_270 : i32 to index
      %get3A_323 = arith.constant 0 : index
      %get3A_324 = tpu.vector_load %arg18[%get3A_322, %get3A_323] {strides = array<i32>} : memref<64x32xf32, #tpu.memory_space<vmem>>, vector<1x16xf32>,
      %get3A_325 = vector.shape_cast %get3A_324 : vector<1x16xf32> to vector<16xf32>
      %sub3A_326 = arith.subf %get3A_275, %get3A_325 : vector<16xf32>
      %get3A_327 = arith.index_cast %scan3A_270 : i32 to index
      %get3A_328 = arith.constant 16 : index
      %get3A_329 = tpu.vector_load %arg18[%get3A_327, %get3A_328] {strides = array<i32>} : memref<64x32xf32, #tpu.memory_space<vmem>>, vector<1x16xf32>,
      %get3A_330 = vector.shape_cast %get3A_329 : vector<1x16xf32> to vector<16xf32>
      %sub3A_331 = arith.subf %get3A_279, %get3A_330 : vector<16xf32>
      %mul3A_332 = arith.mulf %sub3A_326, %sub3A_326 : vector<16xf32>
      %add3A_333 = arith.addf %add3A_321, %mul3A_332 : vector<16xf32>
      %mul3A_334 = arith.mulf %sub3A_331, %sub3A_331 : vector<16xf32>
      %add3A_335 = arith.addf %add3A_333, %mul3A_334 : vector<16xf32>
      scf.yield %add3A_335 : vector<16xf32>
    }
    %scan3A_265 = arith.constant 64 : i32
    %swap3A_266 = arith.constant 0 : index
    %swap3A_267 = tpu.vector_load %arg20[%swap3A_266] {strides = array<i32>} : memref<16xf32, #tpu.memory_space<vmem>>, vector<16xf32>,
    %swap3A_268 = vector.shape_cast %swap3A_267 : vector<16xf32> to vector<16xf32>
    %swap3A_269 = vector.shape_cast %scan3A_264 : vector<16xf32> to vector<16xf32>
    tpu.vector_store %arg20[%swap3A_266], %swap3A_269 {strides = array<i32>} : memref<16xf32, #tpu.memory_space<vmem>>, vector<16xf32>,
    "tpu.region"() ({
      %run_scoped3A = tpu.sem_alloc : memref<!tpu.dma_semaphore, #tpu.memory_space<semaphore_mem>>
      %dma_start3A_270 = arith.constant 0 : i32
      %dma_start3A_271 = tpu.memref_slice %arg9[%add3A, %dma_start3A_270] : memref<32x16xf32, #tpu.memory_space<hbm>> -> memref<1x16xf32, #tpu.memory_space<hbm>>
      %dma_start3A_272 = tpu.memref_squeeze %dma_start3A_271 : memref<1x16xf32, #tpu.memory_space<hbm>> -> memref<16xf32, #tpu.memory_space<hbm>>
      %dma_start3A_273 = arith.constant 0 : i32
      %dma_start3A_274 = tpu.memref_slice %arg9[%add3A, %dma_start3A_273] : memref<32x16xf32, #tpu.memory_space<hbm>> -> memref<1x16xf32, #tpu.memory_space<hbm>>
      %dma_start3A_275 = tpu.memref_squeeze %dma_start3A_274 : memref<1x16xf32, #tpu.memory_space<hbm>> -> memref<16xf32, #tpu.memory_space<hbm>>
      tpu.enqueue_dma source(%arg20 : memref<16xf32, #tpu.memory_space<vmem>>) target(%dma_start3A_275 : memref<16xf32, #tpu.memory_space<hbm>>) target_semaphore(%run_scoped3A : memref<!tpu.dma_semaphore, #tpu.memory_space<semaphore_mem>>)
      %dma_wait3A_276 = arith.constant 0 : i32
      %dma_wait3A_277 = tpu.memref_slice %arg9[%add3A, %dma_wait3A_276] : memref<32x16xf32, #tpu.memory_space<hbm>> -> memref<1x16xf32, #tpu.memory_space<hbm>>
      %dma_wait3A_278 = tpu.memref_squeeze %dma_wait3A_277 : memref<1x16xf32, #tpu.memory_space<hbm>> -> memref<16xf32, #tpu.memory_space<hbm>>
      %dma_wait3A_279 = arith.constant 0 : i32
      %dma_wait3A_280 = tpu.memref_slice %arg9[%add3A, %dma_wait3A_279] : memref<32x16xf32, #tpu.memory_space<hbm>> -> memref<1x16xf32, #tpu.memory_space<hbm>>
      %dma_wait3A_281 = tpu.memref_squeeze %dma_wait3A_280 : memref<1x16xf32, #tpu.memory_space<hbm>> -> memref<16xf32, #tpu.memory_space<hbm>>
      tpu.wait_dma2 semaphore(%run_scoped3A : memref<!tpu.dma_semaphore, #tpu.memory_space<semaphore_mem>>) src(%arg20 : memref<16xf32, #tpu.memory_space<vmem>>) dst(%dma_wait3A_281 : memref<16xf32, #tpu.memory_space<hbm>>)
      tpu.yield
    }) : () -> ()
    return
  }
}

module attributes {stable_mosaic.version = 14 : i64} {
  func.func @_tc_body(%arg0: i32, %arg1: memref<1024x32xf32, #tpu.memory_space<vmem>>, %arg2: memref<32x1024xf32, #tpu.memory_space<vmem>>, %arg3: memref<1024x32xf32, #tpu.memory_space<vmem>>, %arg4: memref<1024x1024xf32, #tpu.memory_space<vmem>>, %arg5: memref<1024x1xi32, #tpu.memory_space<vmem>>, %arg6: memref<1024x32xf32, #tpu.memory_space<vmem>>, %arg7: memref<1024x32xf32, #tpu.memory_space<vmem>>, %arg8: memref<1x1xf32, #tpu.memory_space<vmem>>, %arg9: memref<1x1024xf32, #tpu.memory_space<vmem>>) attributes {dimension_semantics = [#tpu.dimension_semantics<arbitrary>], iteration_bounds = array<i64: 2>, scalar_prefetch = 0 : i64, scratch_operands = 1 : i64, tpu.core_type = #tpu.core_type<tc>, window_params = [{transform_indices = @transform_0, window_bounds = array<i64: 1024, 32>}, {pipeline_mode = #tpu.pipeline_mode<synchronous>, transform_indices = @transform_1, window_bounds = array<i64: 32, 1024>}, {pipeline_mode = #tpu.pipeline_mode<synchronous>, transform_indices = @transform_2, window_bounds = array<i64: 1024, 32>}, {transform_indices = @transform_3, window_bounds = array<i64: 1024, 1024>}, {transform_indices = @transform_4, window_bounds = array<i64: 1024, 1>}, {transform_indices = @transform_5, window_bounds = array<i64: 1024, 32>}, {transform_indices = @transform_6, window_bounds = array<i64: 1024, 32>}, {pipeline_mode = #tpu.pipeline_mode<synchronous>, transform_indices = @transform_7, window_bounds = array<i64: 1, 1>}]} {
    %get3A = arith.constant 0 : index
    %get3A_0 = arith.constant 0 : index
    %get3A_1 = vector.load %arg1[%get3A, %get3A_0] : memref<1024x32xf32, #tpu.memory_space<vmem>>, vector<1024x32xf32>
    %eq3A = arith.constant 0 : i32
    %eq3A_2 = arith.cmpi eq, %arg0, %eq3A : i32
    %convert_element_type3A = arith.extui %eq3A_2 : i1 to i32
    %cond3A = arith.constant 0 : i32
    %cond3A_3 = arith.cmpi ne, %convert_element_type3A, %cond3A : i32
    scf.if %cond3A_3 {
      %get3A_102 = arith.constant 0 : index
      %get3A_103 = arith.constant 0 : index
      %get3A_104 = vector.load %arg2[%get3A_102, %get3A_103] : memref<32x1024xf32, #tpu.memory_space<vmem>>, vector<32x1024xf32>
      %mul3A_105 = arith.mulf %get3A_104, %get3A_104 : vector<32x1024xf32>
      %reduce_sum3A_106 = arith.constant dense<0.000000e+00> : vector<1024xf32>
      %reduce_sum3A_107 = vector.multi_reduction <add>, %mul3A_105, %reduce_sum3A_106 [0] : vector<32x1024xf32> to vector<1024xf32>
      %broadcast_in_dim3A_108 = vector.shape_cast %reduce_sum3A_107 : vector<1024xf32> to vector<1x1024xf32>
      %swap3A_109 = arith.constant 0 : index
      %swap3A_110 = arith.constant 0 : index
      %swap3A_111 = vector.load %arg9[%swap3A_109, %swap3A_110] : memref<1x1024xf32, #tpu.memory_space<vmem>>, vector<1x1024xf32>
      tpu.vector_store %arg9[%swap3A_109, %swap3A_110], %broadcast_in_dim3A_108 {strides = array<i32>} : memref<1x1024xf32, #tpu.memory_space<vmem>>, vector<1x1024xf32>,
    } else {
    }
    %get3A_4 = arith.constant 0 : index
    %get3A_5 = arith.constant 0 : index
    %get3A_6 = vector.load %arg9[%get3A_4, %get3A_5] : memref<1x1024xf32, #tpu.memory_space<vmem>>, vector<1x1024xf32>
    %get3A_7 = arith.constant 0 : index
    %get3A_8 = arith.constant 0 : index
    %get3A_9 = vector.load %arg2[%get3A_7, %get3A_8] : memref<32x1024xf32, #tpu.memory_space<vmem>>, vector<32x1024xf32>
    %dot_general3A = arith.constant dense<0.000000e+00> : vector<1024x1024xf32>
    %dot_general3A_10 = tpu.matmul %get3A_1, %get3A_9, %dot_general3A {dimension_numbers = #tpu.dot_dimension_numbers<[1], [0], [0], [1], [0, 0, 1, 1], [], []>, precision = #tpu.contract_precision<fp32>, transpose_lhs_hint = false} : vector<1024x32xf32>, vector<32x1024xf32>, vector<1024x1024xf32> -> vector<1024x1024xf32>
    %mul3A = arith.constant 2.000000e+00 : f32
    %mul3A_11 = vector.broadcast %mul3A : f32 to vector<1024x1024xf32>
    %mul3A_12 = arith.mulf %mul3A_11, %dot_general3A_10 : vector<1024x1024xf32>
    %sub3A = vector.broadcast %get3A_6 : vector<1x1024xf32> to vector<1024x1024xf32>
    %sub3A_13 = arith.subf %sub3A, %mul3A_12 : vector<1024x1024xf32>
    %mul3A_14 = arith.mulf %get3A_1, %get3A_1 : vector<1024x32xf32>
    %reduce_sum3A = arith.constant dense<0.000000e+00> : vector<1024xf32>
    %reduce_sum3A_15 = vector.multi_reduction <add>, %mul3A_14, %reduce_sum3A [1] : vector<1024x32xf32> to vector<1024xf32>
    %broadcast_in_dim3A = vector.shape_cast %reduce_sum3A_15 : vector<1024xf32> to vector<1024x1xf32>
    %add3A = vector.broadcast %broadcast_in_dim3A : vector<1024x1xf32> to vector<1024x1024xf32>
    %add3A_16 = arith.addf %add3A, %sub3A_13 : vector<1024x1024xf32>
    %swap3A = arith.constant 0 : index
    %swap3A_17 = arith.constant 0 : index
    %swap3A_18 = vector.load %arg4[%swap3A, %swap3A_17] : memref<1024x1024xf32, #tpu.memory_space<vmem>>, vector<1024x1024xf32>
    tpu.vector_store %arg4[%swap3A, %swap3A_17], %add3A_16 {strides = array<i32>} : memref<1024x1024xf32, #tpu.memory_space<vmem>>, vector<1024x1024xf32>,
    %iota3A = tpu.iota {dimensions = array<i32: 1>} : vector<1024x1024xi32>
    %reduce_min3A = arith.constant dense<0x7F800000> : vector<1024xf32>
    %reduce_min3A_19 = vector.multi_reduction <minimumf>, %sub3A_13, %reduce_min3A [1] : vector<1024x1024xf32> to vector<1024xf32>
    %broadcast_in_dim3A_20 = vector.shape_cast %reduce_min3A_19 : vector<1024xf32> to vector<1024x1xf32>
    %eq3A_21 = vector.broadcast %broadcast_in_dim3A_20 : vector<1024x1xf32> to vector<1024x1024xf32>
    %eq3A_22 = arith.cmpf oeq, %sub3A_13, %eq3A_21 : vector<1024x1024xf32>
    %jit3A = arith.constant 1024 : i32
    %broadcast_in_dim3A_23 = vector.broadcast %jit3A : i32 to vector<1024x1024xi32>
    %select_n3A = arith.select %eq3A_22, %iota3A, %broadcast_in_dim3A_23 : vector<1024x1024xi1>, vector<1024x1024xi32>
    %reduce_min3A_24 = arith.constant dense<2147483647> : vector<1024xi32>
    %reduce_min3A_25 = vector.multi_reduction <minsi>, %select_n3A, %reduce_min3A_24 [1] : vector<1024x1024xi32> to vector<1024xi32>
    %broadcast_in_dim3A_26 = vector.shape_cast %reduce_min3A_25 : vector<1024xi32> to vector<1024x1xi32>
    %eq3A_27 = vector.broadcast %broadcast_in_dim3A_26 : vector<1024x1xi32> to vector<1024x1024xi32>
    %eq3A_28 = arith.cmpi eq, %iota3A, %eq3A_27 : vector<1024x1024xi32>
    %jit3A_29 = arith.constant 3.000000e+38 : f32
    %broadcast_in_dim3A_30 = vector.broadcast %jit3A_29 : f32 to vector<1024x1024xf32>
    %select_n3A_31 = arith.select %eq3A_28, %broadcast_in_dim3A_30, %sub3A_13 : vector<1024x1024xi1>, vector<1024x1024xf32>
    %reduce_min3A_32 = arith.constant dense<0x7F800000> : vector<1024xf32>
    %reduce_min3A_33 = vector.multi_reduction <minimumf>, %select_n3A_31, %reduce_min3A_32 [1] : vector<1024x1024xf32> to vector<1024xf32>
    %broadcast_in_dim3A_34 = vector.shape_cast %reduce_min3A_33 : vector<1024xf32> to vector<1024x1xf32>
    %eq3A_35 = vector.broadcast %broadcast_in_dim3A_34 : vector<1024x1xf32> to vector<1024x1024xf32>
    %eq3A_36 = arith.cmpf oeq, %select_n3A_31, %eq3A_35 : vector<1024x1024xf32>
    %jit3A_37 = arith.constant 1024 : i32
    %broadcast_in_dim3A_38 = vector.broadcast %jit3A_37 : i32 to vector<1024x1024xi32>
    %select_n3A_39 = arith.select %eq3A_36, %iota3A, %broadcast_in_dim3A_38 : vector<1024x1024xi1>, vector<1024x1024xi32>
    %reduce_min3A_40 = arith.constant dense<2147483647> : vector<1024xi32>
    %reduce_min3A_41 = vector.multi_reduction <minsi>, %select_n3A_39, %reduce_min3A_40 [1] : vector<1024x1024xi32> to vector<1024xi32>
    %broadcast_in_dim3A_42 = vector.shape_cast %reduce_min3A_41 : vector<1024xi32> to vector<1024x1xi32>
    %get3A_43 = arith.constant 0 : index
    %get3A_44 = arith.constant 0 : index
    %get3A_45 = vector.load %arg3[%get3A_43, %get3A_44] : memref<1024x32xf32, #tpu.memory_space<vmem>>, vector<1024x32xf32>
    %eq3A_46 = vector.broadcast %broadcast_in_dim3A_26 : vector<1024x1xi32> to vector<1024x1024xi32>
    %eq3A_47 = arith.cmpi eq, %iota3A, %eq3A_46 : vector<1024x1024xi32>
    %convert_element_type3A_48 = arith.extui %eq3A_47 : vector<1024x1024xi1> to vector<1024x1024xi32>
    %convert_element_type3A_49 = arith.sitofp %convert_element_type3A_48 : vector<1024x1024xi32> to vector<1024x1024xf32>
    %eq3A_50 = vector.broadcast %broadcast_in_dim3A_42 : vector<1024x1xi32> to vector<1024x1024xi32>
    %eq3A_51 = arith.cmpi eq, %iota3A, %eq3A_50 : vector<1024x1024xi32>
    %convert_element_type3A_52 = arith.extui %eq3A_51 : vector<1024x1024xi1> to vector<1024x1024xi32>
    %convert_element_type3A_53 = arith.sitofp %convert_element_type3A_52 : vector<1024x1024xi32> to vector<1024x1024xf32>
    %concatenate3A = tpu.concatenate %convert_element_type3A_49, %convert_element_type3A_53 in 0 : vector<1024x1024xf32>, vector<1024x1024xf32> -> vector<2048x1024xf32>
    %dot_general3A_54 = arith.constant dense<0.000000e+00> : vector<2048x32xf32>
    %dot_general3A_55 = tpu.matmul %concatenate3A, %get3A_45, %dot_general3A_54 {dimension_numbers = #tpu.dot_dimension_numbers<[1], [0], [0], [1], [0, 0, 1, 1], [], []>, precision = #tpu.contract_precision<fp32>, transpose_lhs_hint = false} : vector<2048x1024xf32>, vector<1024x32xf32>, vector<2048x32xf32> -> vector<2048x32xf32>
    %slice3A = vector.extract_strided_slice %dot_general3A_55 {offsets = [0, 0], sizes = [1024, 32], strides = [1, 1]} : vector<2048x32xf32> to vector<1024x32xf32>
    %slice3A_56 = vector.extract_strided_slice %dot_general3A_55 {offsets = [1024, 0], sizes = [1024, 32], strides = [1, 1]} : vector<2048x32xf32> to vector<1024x32xf32>
    %sub3A_57 = arith.subf %get3A_1, %slice3A : vector<1024x32xf32>
    %integer_pow3A = arith.mulf %sub3A_57, %sub3A_57 : vector<1024x32xf32>
    %reduce_sum3A_58 = arith.constant dense<0.000000e+00> : vector<1024xf32>
    %reduce_sum3A_59 = vector.multi_reduction <add>, %integer_pow3A, %reduce_sum3A_58 [1] : vector<1024x32xf32> to vector<1024xf32>
    %broadcast_in_dim3A_60 = vector.shape_cast %reduce_sum3A_59 : vector<1024xf32> to vector<1024x1xf32>
    %sub3A_61 = arith.subf %get3A_1, %slice3A_56 : vector<1024x32xf32>
    %integer_pow3A_62 = arith.mulf %sub3A_61, %sub3A_61 : vector<1024x32xf32>
    %reduce_sum3A_63 = arith.constant dense<0.000000e+00> : vector<1024xf32>
    %reduce_sum3A_64 = vector.multi_reduction <add>, %integer_pow3A_62, %reduce_sum3A_63 [1] : vector<1024x32xf32> to vector<1024xf32>
    %broadcast_in_dim3A_65 = vector.shape_cast %reduce_sum3A_64 : vector<1024xf32> to vector<1024x1xf32>
    %lt3A = arith.cmpf olt, %broadcast_in_dim3A_65, %broadcast_in_dim3A_60 : vector<1024x1xf32>
    %eq3A_66 = arith.cmpf oeq, %broadcast_in_dim3A_65, %broadcast_in_dim3A_60 : vector<1024x1xf32>
    %lt3A_67 = arith.cmpi slt, %broadcast_in_dim3A_42, %broadcast_in_dim3A_26 : vector<1024x1xi32>
    %and3A = arith.andi %eq3A_66, %lt3A_67 : vector<1024x1xi1>
    %or3A = arith.ori %lt3A, %and3A : vector<1024x1xi1>
    %select_n3A_68 = arith.select %or3A, %broadcast_in_dim3A_42, %broadcast_in_dim3A_26 : vector<1024x1xi1>, vector<1024x1xi32>
    %swap3A_69 = arith.constant 0 : index
    %swap3A_70 = arith.constant 0 : index
    %swap3A_71 = vector.load %arg5[%swap3A_69, %swap3A_70] : memref<1024x1xi32, #tpu.memory_space<vmem>>, vector<1024x1xi32>
    tpu.vector_store %arg5[%swap3A_69, %swap3A_70], %select_n3A_68 {strides = array<i32>} : memref<1024x1xi32, #tpu.memory_space<vmem>>, vector<1024x1xi32>,
    %broadcast_in_dim3A_72 = vector.shape_cast %or3A : vector<1024x1xi1> to vector<1024x1xi1>
    %broadcast_in_dim3A_73 = vector.broadcast %broadcast_in_dim3A_72 : vector<1024x1xi1> to vector<1024x32xi1>
    %select_n3A_74 = arith.select %broadcast_in_dim3A_73, %slice3A_56, %slice3A : vector<1024x32xi1>, vector<1024x32xf32>
    %swap3A_75 = arith.constant 0 : index
    %swap3A_76 = arith.constant 0 : index
    %swap3A_77 = vector.load %arg6[%swap3A_75, %swap3A_76] : memref<1024x32xf32, #tpu.memory_space<vmem>>, vector<1024x32xf32>
    tpu.vector_store %arg6[%swap3A_75, %swap3A_76], %select_n3A_74 {strides = array<i32>} : memref<1024x32xf32, #tpu.memory_space<vmem>>, vector<1024x32xf32>,
    %sub3A_78 = arith.subf %select_n3A_74, %get3A_1 : vector<1024x32xf32>
    %add3A_79 = arith.addf %get3A_1, %sub3A_78 : vector<1024x32xf32>
    %swap3A_80 = arith.constant 0 : index
    %swap3A_81 = arith.constant 0 : index
    %swap3A_82 = vector.load %arg7[%swap3A_80, %swap3A_81] : memref<1024x32xf32, #tpu.memory_space<vmem>>, vector<1024x32xf32>
    tpu.vector_store %arg7[%swap3A_80, %swap3A_81], %add3A_79 {strides = array<i32>} : memref<1024x32xf32, #tpu.memory_space<vmem>>, vector<1024x32xf32>,
    %sub3A_83 = arith.subf %select_n3A_74, %get3A_1 : vector<1024x32xf32>
    %integer_pow3A_84 = arith.mulf %sub3A_83, %sub3A_83 : vector<1024x32xf32>
    %reduce_sum3A_85 = vector.shape_cast %integer_pow3A_84 : vector<1024x32xf32> to vector<1x1024x32xf32>
    %reduce_sum3A_86 = arith.constant dense<0.000000e+00> : vector<1xf32>
    %reduce_sum3A_87 = vector.multi_reduction <add>, %reduce_sum3A_85, %reduce_sum3A_86 [1, 2] : vector<1x1024x32xf32> to vector<1xf32>
    %reduce_sum3A_88 = vector.shape_cast %reduce_sum3A_87 : vector<1xf32> to vector<1x1x1xf32>
    %reduce_sum3A_89 = vector.extract %reduce_sum3A_88[0, 0, 0] : f32 from vector<1x1x1xf32>
    %eq3A_90 = arith.constant 0 : i32
    %eq3A_91 = arith.cmpi eq, %arg0, %eq3A_90 : i32
    %convert_element_type3A_92 = arith.extui %eq3A_91 : i1 to i32
    %cond3A_93 = arith.constant 0 : i32
    %cond3A_94 = arith.cmpi ne, %convert_element_type3A_92, %cond3A_93 : i32
    scf.if %cond3A_94 {
      %broadcast_in_dim3A_102 = arith.constant 0.000000e+00 : f32
      %broadcast_in_dim3A_103 = vector.broadcast %broadcast_in_dim3A_102 : f32 to vector<1x1xf32>
      %swap3A_104 = arith.constant 0 : index
      %swap3A_105 = arith.constant 0 : index
      %swap3A_106 = vector.load %arg8[%swap3A_104, %swap3A_105] : memref<1x1xf32, #tpu.memory_space<vmem>>, vector<1x1xf32>
      tpu.vector_store %arg8[%swap3A_104, %swap3A_105], %broadcast_in_dim3A_103 {strides = array<i32>} : memref<1x1xf32, #tpu.memory_space<vmem>>, vector<1x1xf32>,
    } else {
    }
    %get3A_95 = arith.constant 0 : index
    %get3A_96 = arith.constant 0 : index
    %get3A_97 = vector.load %arg8[%get3A_95, %get3A_96] : memref<1x1xf32, #tpu.memory_space<vmem>>, vector<1x1xf32>
    %reshape3A = vector.broadcast %reduce_sum3A_89 : f32 to vector<1x1xf32>
    %add3A_98 = arith.addf %get3A_97, %reshape3A : vector<1x1xf32>
    %swap3A_99 = arith.constant 0 : index
    %swap3A_100 = arith.constant 0 : index
    %swap3A_101 = vector.load %arg8[%swap3A_99, %swap3A_100] : memref<1x1xf32, #tpu.memory_space<vmem>>, vector<1x1xf32>
    tpu.vector_store %arg8[%swap3A_99, %swap3A_100], %add3A_98 {strides = array<i32>} : memref<1x1xf32, #tpu.memory_space<vmem>>, vector<1x1xf32>,
    return
  }
  func.func @transform_0(%arg0: i32) -> (i32, i32) {
    %c0_i32 = arith.constant 0 : i32
    %c0_i32_0 = arith.constant 0 : i32
    return %arg0, %c0_i32 : i32, i32
  }
  func.func @transform_1(%arg0: i32) -> (i32, i32) {
    %c0_i32 = arith.constant 0 : i32
    %c0_i32_0 = arith.constant 0 : i32
    %c0_i32_1 = arith.constant 0 : i32
    return %c0_i32, %c0_i32_0 : i32, i32
  }
  func.func @transform_2(%arg0: i32) -> (i32, i32) {
    %c0_i32 = arith.constant 0 : i32
    %c0_i32_0 = arith.constant 0 : i32
    %c0_i32_1 = arith.constant 0 : i32
    return %c0_i32, %c0_i32_0 : i32, i32
  }
  func.func @transform_3(%arg0: i32) -> (i32, i32) {
    %c0_i32 = arith.constant 0 : i32
    %c0_i32_0 = arith.constant 0 : i32
    return %arg0, %c0_i32 : i32, i32
  }
  func.func @transform_4(%arg0: i32) -> (i32, i32) {
    %c0_i32 = arith.constant 0 : i32
    %c0_i32_0 = arith.constant 0 : i32
    return %arg0, %c0_i32 : i32, i32
  }
  func.func @transform_5(%arg0: i32) -> (i32, i32) {
    %c0_i32 = arith.constant 0 : i32
    %c0_i32_0 = arith.constant 0 : i32
    return %arg0, %c0_i32 : i32, i32
  }
  func.func @transform_6(%arg0: i32) -> (i32, i32) {
    %c0_i32 = arith.constant 0 : i32
    %c0_i32_0 = arith.constant 0 : i32
    return %arg0, %c0_i32 : i32, i32
  }
  func.func @transform_7(%arg0: i32) -> (i32, i32) {
    %c0_i32 = arith.constant 0 : i32
    %c0_i32_0 = arith.constant 0 : i32
    %c0_i32_1 = arith.constant 0 : i32
    return %c0_i32, %c0_i32_0 : i32, i32
  }
}

</mosaic_0001>

<sc_bundles>
// kernel: kernel.4.cloned.1.call-start
scs
__scs_entry_jumppad:
0x0: {  	(pc) =	sbr.rel $0x88, $3  }
0x1: {  	(tag) =	ssettag $0x0;
	lr =	simm.s32 $0x1  }
0x2: {  	[smem:$0x3F9F] =	sst lr;
	_ =	strace $0xD0000000  }
0x3: {  	_ = 	snop  }
0x4: {  	_ = 	snop  }
0x5: {  	_ = 	snop  }
0x6: {  	_ = 	snop  }
0x7: {  	_ = 	snop  }
__scs_overlays_trampoline_lowered:
0x8: {  	[smem:$0x3FAE] =	sst s0  }
0x9: {  	[smem:$0x3FAF] =	sst s1  }
0xa: {  	[smem:$0x3FB0] =	sst s2  }
0xb: {  	[smem:$0x3FB1] =	sst s3  }
0xc: {  	[smem:$0x3FB2] =	sst s4  }
0xd: {  	[smem:$0x3FB3] =	sst s5  }
0xe: {  	[smem:$0x3FB4] =	sst s6  }
0xf: {  	[smem:$0x3FB5] =	sst s7  }
0x10: {  	[smem:$0x3FB6] =	sst s8  }
0x11: {  	[smem:$0x3FB7] =	sst s9;
	s0 =	simm.s32 @!p0 $0x0  }
0x12: {  	s1 =	sld [smem:$0x3F9D];
	s0 =	simm.s32 @p0 $0x1  }
0x13: {  	[smem:$0x3FB8] =	sst s0;
	s0 =	simm.s32 @!p1 $0x0  }
0x14: {  	s2 =	sld [smem:$0x3F9C];
	s0 =	simm.s32 @p1 $0x1  }
0x15: {  	[smem:$0x3FB9] =	sst s0;
	s0 =	simm.s32 @!p2 $0x0  }
0x16: {  	s3 =	sld [smem:$0x3FDB];
	s0 =	simm.s32 @p2 $0x1  }
0x17: {  	s4 =	simm.s32 $0x1BF5;
	[smem:$0x3FBB] =	sst s0  }
0x18: {  	s0 =	sld [smem:$0x3F9E];
	_ =	swait.ge [sflag:s4], $0x0  }
0x19: {  	s7 =	sld [smem:$0x3F9F]  }
0x1a: {  	s8 =	sadd.s32 $0xFFFFE003, lr  }
0x1b: {  	s9 =	sadd.s32 $0xFFFFFEF7, lr;
	s5 =	simm.s32 $0xFFFFFFFF;
	p2 =	slt.u32 s8, $0xFFFFF086  }
0x1c: {  	p1 =	slt.u32 s9, $0xF7A;
	s5 =	simm.s32 @!p2 $0x0  }
0x1d: {  	s5 =	simm.s32 @p1 $0x1;
	p0 =	seq.s32 s7, s2  }
0x1e: {  	s7 =	smul.u32 @!p0 $0xF7A, s2;
	p2 =	seq.s32 @!p0 s5, $0x0  }
0x1f: {  	s9 =	smul.u32 $0xF7A, s1;
	s8 =	simm.s32 @!p0 $0x1BF5;
	p2 =	por !p2, p0  }
0x20: {  	[sflag:s8] =	ssyncset.s32 @!p0 $0xFFFFF086;
	s6 =	sadd.s32 @!p0 s3, s7;
	s7 =	simm.s32 @!p0 $0x108  }
0x21: {  	s3 =	sadd.s32 s3, s9;
	s6 =	sadd.s32 @!p0 $0x88, s6;
	s7 =	simm.s32 @p2 $0x1082  }
0x22: {  	[simem:s7], [sflag:s8] =	dma.local @!p0 [hbm:s6], $0xF7A  }
0x23: {  	s9 =	sor.u32 $0xD0000000, s2;
	s6 =	simm.s32 $0x108;
	_ =	swait.ge @!p0 [sflag:s8], $0x0  }
0x24: {  	s3 =	sadd.s32 $0x88, s3;
	s6 =	simm.s32 @!p1 $0x1082;
	[sflag:s4] =	ssyncset.s32 $0xFFFFF086  }
0x25: {  	[simem:s6], [sflag:s4] =	dma.local [hbm:s3], $0xF7A  }
0x26: {  	[smem:$0x3F9F] =	sst s1;
	(tag) =	ssettag s2;
	_ =	strace s9  }
0x27: {  	s1 =	sld [smem:$0x3FAF]  }
0x28: {  	s2 =	sld [smem:$0x3FB0]  }
0x29: {  	s4 =	sld [smem:$0x3FB2]  }
0x2a: {  	p0 =	seq.s32 s5, $0x0;
	s5 =	sld [smem:$0x3FB3]  }
0x2b: {  	s6 =	sld [smem:$0x3FB4]  }
0x2c: {  	s7 =	sld [smem:$0x3FB5]  }
0x2d: {  	s3 =	simm.s32 $0x108;
	s8 =	sld [smem:$0x3FB6]  }
0x2e: {  	s3 =	simm.s32 @!p0 $0x1082;
	s9 =	sld [smem:$0x3FB7]  }
0x2f: {  	lr =	sadd.s32 s0, s3;
	s0 =	sld [smem:$0x3FAE]  }
0x30: {  	s3 =	sld [smem:$0x3FB1]  }
0x31: {  	[smem:$0x3FBA] =	sst s10  }
0x32: {  	s10 =	sld [smem:$0x3FB8];
	_ =	sdelay $0x3  }
0x33: {  	p0 =	seq.s32 s10, $0x1;
	s10 =	sld [smem:$0x3FBA];
	_ =	sdelay $0x3  }
0x34: {  	[smem:$0x3FBA] =	sst s10  }
0x35: {  	s10 =	sld [smem:$0x3FB9];
	_ =	sdelay $0x3  }
0x36: {  	p1 =	seq.s32 s10, $0x1;
	s10 =	sld [smem:$0x3FBA];
	_ =	sdelay $0x3  }
0x37: {  	[smem:$0x3FBA] =	sst s10  }
0x38: {  	s10 =	sld [smem:$0x3FBB]  }
0x39: {  	_ = 	snop;
	(pc) =	sbr.ind lr, $3  }
0x3a: {  	_ = 	snop  }
0x3b: {  	_ = 	snop  }
0x3c: {  	p2 =	seq.s32 s10, $0x1;
	s10 =	sld [smem:$0x3FBA]  }
0x3d: {  	_ =	shalt  }
0x3e: {  	_ =	shalt  }
0x3f: {  	_ =	shalt  }
0x40: {  	_ =	shalt  }
0x41: {  	_ =	shalt  }
0x42: {  	_ =	shalt  }
0x43: {  	_ =	shalt  }
0x44: {  	_ =	shalt  }
0x45: {  	_ =	shalt  }
0x46: {  	_ =	shalt  }
0x47: {  	_ =	shalt  }
0x48: {  	_ =	shalt  }
0x49: {  	_ =	shalt  }
0x4a: {  	_ =	shalt  }
0x4b: {  	_ =	shalt  }
0x4c: {  	_ =	shalt  }
0x4d: {  	_ =	shalt  }
0x4e: {  	_ =	shalt  }
0x4f: {  	_ =	shalt  }
0x50: {  	_ =	shalt  }
0x51: {  	_ =	shalt  }
0x52: {  	_ =	shalt  }
0x53: {  	_ =	shalt  }
0x54: {  	_ =	shalt  }
0x55: {  	_ =	shalt  }
0x56: {  	_ =	shalt  }
0x57: {  	_ =	shalt  }
0x58: {  	_ =	shalt  }
0x59: {  	_ =	shalt  }
0x5a: {  	_ =	shalt  }
0x5b: {  	_ =	shalt  }
0x5c: {  	_ =	shalt  }
0x5d: {  	_ =	shalt  }
0x5e: {  	_ =	shalt  }
0x5f: {  	_ =	shalt  }
0x60: {  	_ =	shalt  }
0x61: {  	_ =	shalt  }
0x62: {  	_ =	shalt  }
0x63: {  	_ =	shalt  }
0x64: {  	_ =	shalt  }
0x65: {  	_ =	shalt  }
0x66: {  	_ =	shalt  }
0x67: {  	_ =	shalt  }
0x68: {  	_ =	shalt  }
0x69: {  	_ =	shalt  }
0x6a: {  	_ =	shalt  }
0x6b: {  	_ =	shalt  }
0x6c: {  	_ =	shalt  }
0x6d: {  	_ =	shalt  }
0x6e: {  	_ =	shalt  }
0x6f: {  	_ =	shalt  }
0x70: {  	_ =	shalt  }
0x71: {  	_ =	shalt  }
0x72: {  	_ =	shalt  }
0x73: {  	_ =	shalt  }
0x74: {  	_ =	shalt  }
0x75: {  	_ =	shalt  }
0x76: {  	_ =	shalt  }
0x77: {  	_ =	shalt  }
0x78: {  	_ =	shalt  }
0x79: {  	_ =	shalt  }
0x7a: {  	_ =	shalt  }
0x7b: {  	_ =	shalt  }
0x7c: {  	_ =	shalt  }
0x7d: {  	_ =	shalt  }
0x7e: {  	_ =	shalt  }
0x7f: {  	_ =	shalt  }
0x80: {  	_ =	shalt  }
0x81: {  	_ =	shalt  }
0x82: {  	_ =	shalt  }
0x83: {  	_ =	shalt  }
0x84: {  	_ =	shalt  }
0x85: {  	_ =	shalt  }
0x86: {  	_ =	shalt  }
0x87: {  	_ =	shalt  }
.Lfunc_end0:
.L_simem_size_0:
called_computation_lowered:
.L_overlay_start_0:
0x88: {  	s2 =	sld [smem:$0x3FD9]  }
0x89: {  	s3 =	sld [smem:$0x3FFE];
	_ =	sdelay $0x1  }
0x8a: {  	s1 =	srdreg.scid  }
0x8b: {  	s0 =	sand.u32 $0x1, s1  }
0x8c: {  	s14 =	sshll.u32 s0, $0xA;
	s2 =	sadd.s32 s3, s2  }
0x8d: {  	s2 =	sadd.s32 s2, s14  }
0x8e: {  	[smem:$0x3FC6] =	sst s2  }
0x8f: {  	_ = 	snop  }
0x90: {  	s2 =	sld [smem:$0x3FD0];
	_ =	sdelay $0x2  }
0x91: {  	s15 =	simm.s32 $0xA;
	s4 =	simm.s32 $0x10  }
0x92: {  	[smem:s4], [sflag:s15] =	dma.local [hbm:s2], $0x1  }
0x93: {  	_ =	swait.eq [sflag:s15], $0x1  }
0x94: {  	[sflag:s15] =	ssyncset.done $0x0  }
0x95: {  	s16 =	sld [smem:$0x13];
	[sflag:s15] =	ssyncadd.s32 $0xFFFFFFFF  }
0x96: {  	s17 =	sld [smem:$0x15];
	(tm) =	ssettm $0x1  }
0x97: {  	s18 =	sld [smem:$0x3FFB];
	_ =	sdelay $0x3  }
0x98: {  	_ =	strace s18  }
0x99: {  	s4 =	sld [smem:$0x3FFC];
	_ =	sdelay $0x3  }
0x9a: {  	_ =	strace s4  }
0x9b: {  	s4 =	sld [smem:$0x3FFD];
	_ =	sdelay $0x3  }
0x9c: {  	_ =	strace s4  }
0x9d: {  	_ =	strace $0x8FFFFFFF  }
0x9e: {  	s19 =	sld [smem:$0x3FDB];
	_ =	sdelay $0x1  }
0x9f: {  	s5 =	simm.s32 $_scs_section_size  }
0xa0: {  	s6 =	simm.s32 $_size__tile_overlayer_lowered;
	s7 =	simm.s32 $_tile_overlayer_lowered  }
0xa1: {  	s22 =	simm.s32 $0x1BFF;
	s21 =	sshll.u32 s7, $0x1;
	s4 =	sadd.s32 s5, s19  }
0xa2: {  	s8 =	simm.s32 $0x0;
	s20 =	sshll.u32 s6, $0x1;
	s6 =	sadd.s32 s21, s4  }
0xa3: {  	[timem:s8], [sflag:s22] =	dma.local [hbm:s6], s20  }
0xa4: {  	_ =	swait.ge [sflag:s22], s20  }
0xa5: {  	s5 =	ssub.s32 $0x0, s20;
	[sflag:s22] =	ssyncset.done $0x0  }
0xa6: {  	[sflag:s22] =	ssyncadd.s32 s5;
	_ =	sdelay $0x1  }
0xa7: {  	s23 =	simm.s32 $0x1B8B  }
0xa8: {  	_ =	swait.ge [sflag:s23], $0x1  }
0xa9: {  	[sflag:s23] =	ssyncset.done $0x0  }
0xaa: {  	s25 =	simm.s32 $0x1B8E;
	s24 =	sld [smem:$0x3FFE];
	[sflag:s23] =	ssyncadd.s32 $0xFFFFFFFF  }
0xab: {  	s26 =	simm.s32 $execute0_lowered;
	[smem:$0x3FD2] =	sst s25  }
0xac: {  	s6 =	sshll.u32 s26, $0x1;
	_ =	strace $0x80000046;
	[dreg:$0x1] =	wrdreg $0xFFFFFFFF  }
0xad: {  	s28 =	simm.s32 $_size_execute0_lowered;
	s4 =	sadd.s32 s4, s6;
	[dreg:$0x0] =	wrdreg $0x0  }
0xae: {  	s6 =	sshll.u32 s28, $0x1;
	[dreg:$0x2] =	wrdreg s4  }
0xaf: {  	[dreg:$0x3] =	wrdreg s6  }
0xb0: {  	[dreg:$0x4] =	wrdreg $0xC0  }
0xb1: {  	_ =	task [dreg:s8], $0x5FFFF  }
0xb2: {  	[dreg:$0x1] =	wrdreg $0xFFFFFFFF  }
0xb3: {  	[dreg:$0x0] =	wrdreg $0x60  }
0xb4: {  	[dreg:$0x2] =	wrdreg s24  }
0xb5: {  	[dreg:$0x3] =	wrdreg s17  }
0xb6: {  	[dreg:$0x4] =	wrdreg s16  }
0xb7: {  	[dreg:$0x5] =	wrdreg $0x9  }
0xb8: {  	_ =	task.clear_ibuf [dreg:s8], $0x6FFFF;
	_ =	strace $0x90000046  }
0xb9: {  	s29 =	simm.s32 $0x9;
	_ =	strace $0x80000048  }
0xba: {  	_ =	swait.ge [sflag:s29], $0x1  }
0xbb: {  	[sflag:s29] =	ssyncadd.s32 $0xFFFFFFFF  }
0xbc: {  	_ =	strace $0x90000048  }
0xbd: {  	_ =	sfence  }
0xbe: {  	s30 =	sld [smem:$0x0];
	_ =	sdelay $0x2  }
0xbf: {  	s31 =	sshll.u32 s1, $0xD;
	s1 =	sshrl.u32 s1, $0x2  }
0xc0: {  	s3 =	sand.u32 $0x4000, s31;
	s1 =	sadd.s32 s1, s30  }
0xc1: {  	s0 =	sor.u32 s3, s0;
	s1 =	sshll.u32 s1, $0x11  }
0xc2: {  	s0 =	sor.u32 s1, s0  }
0xc3: {  	s0 =	sadd.s32 $0x8F2B, s0  }
0xc4: {  	[sflag:s0] =	ssyncadd.remote.s32 $0x1  }
0xc5: {  	_ =	sfence.sel $0xFFFF  }
0xc6: {  	[dreg:$0x0] =	wrdreg $0xFFFFFFFF;
	(pc) =	sbr.abs _section_cstart, $3  }
0xc7: {  	[dreg:$0x1] =	wrdreg $0xFFFFFFFF  }
0xc8: {  	_ =	task.clear_ibuf [dreg:s8], $0x2FFFF;
	_ =	strace $0x9FFFFFFF  }
0xc9: {  	(tm) =	ssettm $0x7FFFFFFF  }
tec
execute0_lowered:
.L_overlay_start_1:
0x0: {  	(tag) =	ssettag $0x1  }
0x1: {  	s4 =	rddreg [dreg:$0x0]  }
0x2: {  	s5 =	rddreg [dreg:$0x1]  }
0x3: {  	s6 =	rddreg [dreg:$0x2]  }
0x4: {  	s0 =	rddreg [dreg:$0x3];
	s2 =	simm.s32 $0x0;
	s3 =	srdreg.scid  }
0x5: {  	s1 =	stileid.u32;
	s13 =	simm.s32 $0x40;
	s14 =	simm.s32 $0x140  }
0x6: {  	s15 =	simm.s32 $0x80;
	s16 =	simm.s32 $0x940;
	s17 =	simm.s32 $0xC0  }
0x7: {  	s18 =	simm.s32 $0x1140;
	s19 =	simm.s32 $0x100;
	s20 =	simm.s32 $0x1940  }
0x8: {  	s21 =	simm.s32 $0x2140;
	s22 =	simm.s32 $0x1;
	s23 =	simm.s32 $0x2940  }
0x9: {  	s24 =	simm.s32 $0x0;
	s7 =	sand.u32 $0x1, s3;
	s30 =	sshll.u32 s1, $0x1  }
0xa: {  	[smem:$0x7FF] =	sst s2;
	s3 =	sadd.s32 $0xA00, s4;
	s8 =	sor.u32 s7, s30  }
0xb: {  	_ =	strace $0x80000047;
	s7 =	ssub.s32 $0x2, s7;
	s9 =	sshll.u32 s8, $0x8  }
0xc: {  	s11 =	sshll.u32 s8, $0x1;
	s12 =	sshrl.u32 s7, $0x1;
	s31 =	sshll.u32 s8, $0x3  }
0xd: {  	s10 =	sadd.s32 s9, s4;
	s11 =	sadd.s32 s11, s4;
	s12 =	ssub.s32 s7, s12  }
0xe: {  	s4 =	sadd.s32 s5, s31;
	s5 =	sadd.s32 s6, s9;
	s6 =	sadd.s32 $0x1E00, s10  }
0xf: {  	s7 =	sadd.s32 $0x3E00, s10;
	s8 =	sadd.s32 $0x5E00, s10;
	s9 =	sadd.s32 $0x7E00, s10  }
0x10: {  	s10 =	sadd.s32 $0x1C00, s11;
	s11 =	smax.u32 s12, $0x1;
	s12 =	simm.s32 $0x2  }
.LBB2_1:
0x11: {  	[tilespmem:s2], [sflag:$0x2] =	stream.linear.gather [hbm4b:s4+s2], $0x40, $0x38;
	[tilespmem:$0x2950] =	vst v63  }
0x12: {  	_ =	swait.ge [sflag:s12], $0x40  }
0x13: {  	[sflag:s12] =	ssyncset.done $0x0  }
0x14: {  	[sflag:s12] =	ssyncadd.s32 $0xFFFFFFC0  }
0x15: {  	v0 =	vld [tilespmem:$0x0]  }
0x16: {  	v2 =	vld [tilespmem:$0x10];
	_ =	sdelay $0x3  }
0x17: {  	v1 =	vshra.s32 v0, $0x5;
	v3 =	vand.u32 $0x1F, v0  }
0x18: {  	v4 =	vadd.s32 $0x20, v0;
	v5 =	vadd.s32 $0x1, v0;
	v6 =	vand.u32 $0x1F, v2  }
0x19: {  	vm0 =	vlt.s32 v1, $0x1F;
	vm15 =	vgt.s32 v1, $0x0;
	v1 =	vadd.s32 $0xFFFFFFE0, v0  }
0x1a: {  	vm4 =	veq.s32 v3, $0x1F;
	vm5 =	veq.s32 v3, $0x0;
	v4 =	vnsel vm0, $0x400, v4  }
0x1b: {  	v0 =	vadd.s32 $0xFFFFFFFF, v0;
	v3 =	vld [tilespmem:$0x20];
	vm2 =	veq.s32 v6, $0x1F;
	v1 =	vnsel vm15, $0x400, v1;
	[tilespmem:$0x40] =	vst v4  }
0x1c: {  	v5 =	vsel vm4, $0x400, v5;
	v0 =	vsel vm5, $0x400, v0;
	v4 =	vshra.s32 v2, $0x5;
	[tilespmem:$0x80] =	vst v1  }
0x1d: {  	v1 =	vadd.s32 $0x20, v2;
	[tilespmem:$0xC0] =	vst v5;
	v5 =	vadd.s32 $0x1, v2;
	vm6 =	vlt.s32 v4, $0x1F  }
0x1e: {  	[tilespmem:$0x100] =	vst v0;
	vm1 =	vgt.s32 v4, $0x0;
	v4 =	vadd.s32 $0xFFFFFFE0, v2;
	v1 =	vnsel vm6, $0x400, v1  }
0x1f: {  	vm7 =	veq.s32 v6, $0x0;
	v0 =	vnsel vm1, $0x400, v4;
	v4 =	vsel vm2, $0x400, v5;
	[tilespmem:$0x50] =	vst v1  }
0x20: {  	v5 =	vld [tilespmem:$0x30];
	v1 =	vadd.s32 $0xFFFFFFFF, v2;
	v2 =	vshra.s32 v3, $0x5;
	[tilespmem:$0xD0] =	vst v4;
	v4 =	vadd.s32 $0x20, v3  }
0x21: {  	[tilespmem:$0x90] =	vst v0;
	v0 =	vsel vm7, $0x400, v1;
	v1 =	vand.u32 $0x1F, v3;
	vm8 =	vlt.s32 v2, $0x1F  }
0x22: {  	vm9 =	vgt.s32 v2, $0x0;
	v2 =	vadd.s32 $0xFFFFFFE0, v3;
	[tilespmem:$0x110] =	vst v0;
	v0 =	vnsel vm8, $0x400, v4  }
0x23: {  	vm10 =	veq.s32 v1, $0x1F;
	vm11 =	veq.s32 v1, $0x0;
	v1 =	vadd.s32 $0xFFFFFFFF, v3  }
0x24: {  	v2 =	vnsel vm9, $0x400, v2;
	[tilespmem:$0x60] =	vst v0;
	v0 =	vadd.s32 $0x1, v3;
	v1 =	vsel vm11, $0x400, v1  }
0x25: {  	[tilespmem:$0xA0] =	vst v2;
	v0 =	vsel vm10, $0x400, v0;
	v2 =	vshra.s32 v5, $0x5;
	v3 =	vadd.s32 $0x20, v5  }
0x26: {  	[tilespmem:$0xE0] =	vst v0;
	v0 =	vand.u32 $0x1F, v5;
	vm12 =	vlt.s32 v2, $0x1F;
	vm13 =	vgt.s32 v2, $0x0  }
0x27: {  	[tilespmem:$0x120] =	vst v1;
	v2 =	vadd.s32 $0xFFFFFFE0, v5;
	v1 =	vnsel vm12, $0x400, v3;
	vm14 =	veq.s32 v0, $0x1F  }
0x28: {  	vm15 =	veq.s32 v0, $0x0;
	v0 =	vadd.s32 $0xFFFFFFFF, v5;
	[tilespmem:$0x70] =	vst v1;
	v1 =	vnsel vm13, $0x400, v2  }
0x29: {  	v2 =	vadd.s32 $0x1, v5;
	v0 =	vsel vm15, $0x400, v0;
	[tilespmem:$0xB0] =	vst v1  }
0x2a: {  	v1 =	vsel vm14, $0x400, v2;
	[tilespmem:$0x130] =	vst v0  }
0x2b: {  	[tilespmem:$0xF0] =	vst v1  }
0x2c: {  	[tilespmem:s14], [sflag:$0x1] =	stream.indirect.gather [hbm4b:s3+s13], $0x20, s13, s13, $0xb8;
	[tilespmem:$0x2950] =	vst v63  }
0x2d: {  	_ = 	snop  }
0x2e: {  	[tilespmem:s16], [sflag:$0x1] =	stream.indirect.gather [hbm4b:s3+s13], $0x20, s15, s13, $0xb8;
	[tilespmem:$0x2950] =	vst v63  }
0x2f: {  	_ = 	snop  }
0x30: {  	[tilespmem:s18], [sflag:$0x1] =	stream.indirect.gather [hbm4b:s3+s13], $0x20, s17, s13, $0xb8;
	[tilespmem:$0x2950] =	vst v63  }
0x31: {  	_ = 	snop  }
0x32: {  	[tilespmem:s20], [sflag:$0x1] =	stream.indirect.gather [hbm4b:s3+s13], $0x20, s19, s13, $0xb8;
	[tilespmem:$0x2950] =	vst v63  }
0x33: {  	_ = 	snop  }
0x34: {  	[tilespmem:s21], [sflag:$0x2] =	stream.linear.gather [hbm4b:s5+s2], $0x800, $0x38;
	[tilespmem:$0x2950] =	vst v63  }
0x35: {  	_ =	swait.ge [sflag:s12], $0x800  }
0x36: {  	[sflag:s12] =	ssyncset.done $0x0  }
0x37: {  	[sflag:s12] =	ssyncadd.s32 $0xFFFFF800  }
0x38: {  	_ =	swait.ge [sflag:s22], $0x800  }
0x39: {  	[sflag:s22] =	ssyncset.done $0x0  }
0x3a: {  	[sflag:s22] =	ssyncadd.s32 $0xFFFFF800  }
0x3b: {  	_ =	swait.ge [sflag:s22], $0x800  }
0x3c: {  	[sflag:s22] =	ssyncset.done $0x0  }
0x3d: {  	[sflag:s22] =	ssyncadd.s32 $0xFFFFF800  }
0x3e: {  	_ =	swait.ge [sflag:s22], $0x800  }
0x3f: {  	[sflag:s22] =	ssyncset.done $0x0  }
0x40: {  	[sflag:s22] =	ssyncadd.s32 $0xFFFFF800  }
0x41: {  	_ =	swait.ge [sflag:s22], $0x800  }
0x42: {  	[sflag:s22] =	ssyncset.done $0x0  }
0x43: {  	[sflag:s22] =	ssyncadd.s32 $0xFFFFF800  }
0x44: {  	[hbm4b:s6+s2] =	stream.linear.scatter [tilespmem:s14], [sflag:$0x2], $0x800, $0x38;
	[tilespmem:$0x2950] =	vst v63  }
0x45: {  	_ =	swait.ge [sflag:s12], $0x800  }
0x46: {  	[sflag:s12] =	ssyncset.done $0x0  }
0x47: {  	[sflag:s12] =	ssyncadd.s32 $0xFFFFF800  }
0x48: {  	[hbm4b:s7+s2] =	stream.linear.scatter [tilespmem:s16], [sflag:$0x2], $0x800, $0x38;
	[tilespmem:$0x2950] =	vst v63  }
0x49: {  	_ =	swait.ge [sflag:s12], $0x800  }
0x4a: {  	[sflag:s12] =	ssyncset.done $0x0  }
0x4b: {  	[sflag:s12] =	ssyncadd.s32 $0xFFFFF800  }
0x4c: {  	[hbm4b:s8+s2] =	stream.linear.scatter [tilespmem:s18], [sflag:$0x2], $0x800, $0x38;
	[tilespmem:$0x2950] =	vst v63  }
0x4d: {  	_ =	swait.ge [sflag:s12], $0x800  }
0x4e: {  	[sflag:s12] =	ssyncset.done $0x0  }
0x4f: {  	[sflag:s12] =	ssyncadd.s32 $0xFFFFF800  }
0x50: {  	[hbm4b:s9+s2] =	stream.linear.scatter [tilespmem:s20], [sflag:$0x2], $0x800, $0x38;
	[tilespmem:$0x2950] =	vst v63  }
0x51: {  	_ =	swait.ge [sflag:s12], $0x800  }
0x52: {  	[sflag:s12] =	ssyncset.done $0x0  }
0x53: {  	s26 =	simm.s32 $0x0;
	[sflag:s12] =	ssyncadd.s32 $0xFFFFF800  }
0x54: {  	v0 =	vld [tilespmem:s26+$0x2140]  }
0x55: {  	v2 =	vld [tilespmem:s26+$0x140]  }
0x56: {  	v1 =	vld [tilespmem:s26+$0x2150]  }
0x57: {  	v3 =	vld [tilespmem:s26+$0x150];
	_ =	sdelay $0x1  }
0x58: {  	v4 =	vld [tilespmem:s26+$0x940]  }
0x59: {  	v2 =	vsub.f32 v0, v2  }
0x5a: {  	v5 =	vld [tilespmem:s26+$0x950]  }
0x5b: {  	v3 =	vsub.f32 v1, v3;
	v2 =	vmul.f32 v2, v2  }
0x5c: {  	v6 =	vimm.f32 $0.0e+00;
	v7 =	vld [tilespmem:s26+$0x1140]  }
0x5d: {  	v4 =	vsub.f32 v0, v4;
	v3 =	vmul.f32 v3, v3;
	v2 =	vadd.f32 v2, v6  }
0x5e: {  	v6 =	vld [tilespmem:s26+$0x1150]  }
0x5f: {  	v5 =	vsub.f32 v1, v5;
	v4 =	vmul.f32 v4, v4;
	v2 =	vadd.f32 v3, v2  }
0x60: {  	v3 =	vld [tilespmem:s26+$0x1940]  }
0x61: {  	v7 =	vsub.f32 v0, v7;
	v5 =	vmul.f32 v5, v5;
	v8 =	vadd.f32 v4, v2  }
0x62: {  	s25 =	simm.s32 $0x20;
	v4 =	vld [tilespmem:s26+$0x1950]  }
0x63: {  	v7 =	vmul.f32 v7, v7;
	v2 =	vld [tilespmem:s25+$0x2140];
	s26 =	simm.s32 $0x100;
	v6 =	vsub.f32 v1, v6;
	v5 =	vadd.f32 v5, v8  }
.LBB2_2:
0x64: {  	p0 =	sne.s32 s26, $0x1F80;
	v8 =	vld [tilespmem:s25+$0x140]  }
0x65: {  	v9 =	vld [tilespmem:s25+$0x2150];
	v5 =	vadd.f32 v7, v5;
	v6 =	vmul.f32 v6, v6;
	v7 =	vsub.f32 v0, v3  }
0x66: {  	v3 =	vld [tilespmem:s25+$0x150]  }
0x67: {  	v5 =	vadd.f32 v6, v5;
	v10 =	vsub.f32 v1, v4;
	v4 =	vmul.f32 v7, v7  }
0x68: {  	v6 =	vld [tilespmem:s25+$0x940];
	v0 =	vmov v2  }
0x69: {  	v2 =	vsub.f32 v0, v8;
	v4 =	vadd.f32 v4, v5;
	v5 =	vmul.f32 v10, v10  }
0x6a: {  	v7 =	vld [tilespmem:s25+$0x950];
	v1 =	vmov v9  }
0x6b: {  	v3 =	vsub.f32 v1, v3;
	v2 =	vmul.f32 v2, v2;
	v4 =	vadd.f32 v5, v4  }
0x6c: {  	v5 =	vld [tilespmem:s25+$0x1140]  }
0x6d: {  	v2 =	vadd.f32 v2, v4;
	v3 =	vmul.f32 v3, v3;
	v4 =	vsub.f32 v0, v6  }
0x6e: {  	v6 =	vld [tilespmem:s25+$0x1150]  }
.Ltmp0:
0x6f: {  	v2 =	vadd.f32 v3, v2;
	v7 =	vsub.f32 v1, v7;
	v4 =	vmul.f32 v4, v4;
	(pc) =	sbr.rel @p0 .LBB2_2-.Ltmp0, $4  }
0x70: {  	v3 =	vld [tilespmem:s25+$0x1940]  }
0x71: {  	v8 =	vadd.f32 v4, v2;
	v7 =	vmul.f32 v7, v7;
	v9 =	vsub.f32 v0, v5  }
0x72: {  	v4 =	vld [tilespmem:s25+$0x1950];
	s25 =	sshra.s32 s26, $0x2  }
0x73: {  	s26 =	sadd.s32 $0x80, s26;
	v2 =	vld [tilespmem:s25+$0x2140];
	v5 =	vadd.f32 v7, v8;
	v6 =	vsub.f32 v1, v6;
	v7 =	vmul.f32 v9, v9  }
0x74: {  	v8 =	vld [tilespmem:s25+$0x140]  }
0x75: {  	v9 =	vld [tilespmem:s25+$0x2150];
	v5 =	vadd.f32 v7, v5;
	v6 =	vmul.f32 v6, v6;
	v0 =	vsub.f32 v0, v3  }
0x76: {  	v51 =	vld [tilespmem:s25+$0x150]  }
0x77: {  	v5 =	vadd.f32 v6, v5;
	v1 =	vsub.f32 v1, v4;
	v0 =	vmul.f32 v0, v0  }
0x78: {  	v52 =	vld [tilespmem:s25+$0x940]  }
0x79: {  	v53 =	vsub.f32 v2, v8;
	v0 =	vadd.f32 v0, v5;
	v1 =	vmul.f32 v1, v1  }
0x7a: {  	v54 =	vld [tilespmem:s25+$0x950]  }
0x7b: {  	v3 =	vsub.f32 v9, v51;
	v6 =	vmul.f32 v53, v53;
	v0 =	vadd.f32 v1, v0  }
0x7c: {  	v55 =	vld [tilespmem:s25+$0x1140]  }
0x7d: {  	v4 =	vsub.f32 v2, v52;
	v3 =	vmul.f32 v3, v3;
	v0 =	vadd.f32 v6, v0  }
0x7e: {  	v56 =	vld [tilespmem:s25+$0x1150]  }
0x7f: {  	v57 =	vsub.f32 v9, v54;
	v4 =	vmul.f32 v4, v4;
	v0 =	vadd.f32 v3, v0  }
0x80: {  	v58 =	vld [tilespmem:s25+$0x1940]  }
0x81: {  	v1 =	vsub.f32 v2, v55;
	v3 =	vmul.f32 v57, v57;
	v0 =	vadd.f32 v4, v0  }
0x82: {  	v59 =	vld [tilespmem:s25+$0x1950]  }
0x83: {  	v60 =	vsub.f32 v9, v56;
	v1 =	vmul.f32 v1, v1;
	v0 =	vadd.f32 v3, v0;
	_ =	sdelay $0x1  }
0x84: {  	v62 =	vsub.f32 v2, v58;
	v61 =	vmul.f32 v60, v60;
	v0 =	vadd.f32 v1, v0;
	_ =	sdelay $0x1  }
0x85: {  	v63 =	vsub.f32 v9, v59;
	v2 =	vmul.f32 v62, v62;
	v0 =	vadd.f32 v61, v0;
	_ =	sdelay $0x1  }
0x86: {  	v1 =	vmul.f32 v63, v63;
	v0 =	vadd.f32 v2, v0;
	_ =	sdelay $0x1  }
0x87: {  	s24 =	sadd.s32 $0x1, s24;
	v0 =	vadd.f32 v1, v0  }
0x88: {  	p0 =	sne.s32 s24, s11  }
.Ltmp1:
0x89: {  	[tilespmem:$0x2940] =	vst v0;
	(pc) =	sbr.rel @p0 .LBB2_1-.Ltmp1, $4  }
0x8a: {  	[hbm4b:s10+s2] =	stream.linear.scatter [tilespmem:s23], [sflag:$0x2], $0x10, $0x38;
	[tilespmem:$0x2950] =	vst v63  }
0x8b: {  	_ =	swait.ge [sflag:s12], $0x10  }
0x8c: {  	[sflag:s12] =	ssyncset.done $0x0  }
0x8d: {  	[sflag:s12] =	ssyncadd.s32 $0xFFFFFFF0  }
0x8e: {  	_ =	sfence.sel $0x180000  }
0x8f: {  	[bflag:$0x0] =	sbarrier.arrive $0xFFFF  }
0x90: {  	p0 =	sne.s32 s1, $0x0;
	_ =	strace $0x90000047  }
0x91: {  	s0 =	sadd.s32 @!p0 $0x100000, s0;
	[bflag:$0x2] =	sbarrier.arrive $0xFFFF  }
0x92: {  	[sflag:s0] =	ssyncadd.tile.s32 @!p0 $0x1;
	_ =	shalt  }
.Lfunc_end2:
_tile_overlayer_lowered:
.L_overlay_start_2:
0x93: {  	(tag) =	ssettag $0x2  }
0x94: {  	s0 =	rddreg [dreg:$0x0];
	s2 =	stileid.u32  }
0x95: {  	s1 =	rddreg [dreg:$0x1];
	p0 =	sne.s32 s2, $0x0  }
0x96: {  	s3 =	rddreg [dreg:$0x2];
	[bflag:$0x3] =	sbarrier.arrive $0xFFFF;
	s2 =	simm.s32 @!p0 $0x1C02  }
0x97: {  	[timem:s3], [sflag:s2] =	dma.local @!p0 [hbm:s0], s1  }
0x98: {  	s0 =	simm.s32 @!p0 $0x2  }
0x99: {  	_ =	swait.ge @!p0 [sflag:s0], s1  }
0x9a: {  	s1 =	ssub.s32 @!p0 $0x0, s1;
	[sflag:s0] =	ssyncset.done @!p0 $0x0  }
0x9b: {  	[sflag:s0] =	ssyncadd.s32 @!p0 s1  }
0x9c: {  	[bflag:$0x3] =	sbarrier.arrive $0xFFFF  }
0x9d: {  	_ =	shalt  }

</sc_bundles>
